<compile_context>
chip_gen: v7x
topology: tpu7x:2x2x1
jax: 0.10.2.dev20260603
libtpu: 0.0.44.dev20260713+nightly
codegen_flags: <defaults>
</compile_context>

<pallas_src>
import functools

import jax
import jax.numpy as jnp
from jax.experimental import pallas as pl
from jax.experimental.pallas import tpu as pltpu

V = 100000
H = 128
K = 8
SOS = 1
EOS = 2
NEG = -1e9

SV = 2048
V_PAD = 102400
NV = V_PAD // SV
BK = 128
NEGBIG = -3e38
INTBIG = 2**31 - 1


def _extract_top8(vals, idxs):
    tv, ti = [], []
    for _ in range(K):
        mx = jnp.max(vals, axis=1, keepdims=True)
        im = jnp.min(jnp.where(vals >= mx, idxs, INTBIG), axis=1, keepdims=True)
        tv.append(mx)
        ti.append(im)
        vals = jnp.where(idxs == im, NEGBIG, vals)
    return jnp.concatenate(tv, axis=1), jnp.concatenate(ti, axis=1)


def _step_kernel(x_ref, h_ref, wih_ref, whh_ref, bih_ref, bhh_ref,
                 wout_ref, bout_ref,
                 logits_ref, hnew_ref, topv_ref, topi_ref, lse_ref,
                 m_ref, s_ref):
    v = pl.program_id(0)
    nv = pl.num_programs(0)

    @pl.when(v == 0)
    def _init():
        x = x_ref[...]
        h = h_ref[...]
        gi = jnp.dot(x, wih_ref[...], preferred_element_type=jnp.float32) + bih_ref[...]
        gh = jnp.dot(h, whh_ref[...], preferred_element_type=jnp.float32) + bhh_ref[...]
        i_r, i_z, i_n = gi[:, :H], gi[:, H:2 * H], gi[:, 2 * H:]
        h_r, h_z, h_n = gh[:, :H], gh[:, H:2 * H], gh[:, 2 * H:]
        r = jax.nn.sigmoid(i_r + h_r)
        z = jax.nn.sigmoid(i_z + h_z)
        n = jnp.tanh(i_n + r * h_n)
        hnew_ref[...] = (1.0 - z) * n + z * h
        m_ref[...] = jnp.full((BK, 1), NEGBIG, dtype=jnp.float32)
        s_ref[...] = jnp.zeros((BK, 1), dtype=jnp.float32)
        topv_ref[...] = jnp.full((BK, K), NEGBIG, dtype=jnp.float32)
        topi_ref[...] = jnp.zeros((BK, K), dtype=jnp.int32)

    h = hnew_ref[...]
    logits = jnp.dot(h, wout_ref[...], preferred_element_type=jnp.float32) + bout_ref[...]
    logits_ref[...] = logits

    sm = jnp.max(logits, axis=1, keepdims=True)
    m_old = m_ref[...]
    m_new = jnp.maximum(m_old, sm)
    s_ref[...] = (s_ref[...] * jnp.exp(m_old - m_new)
                  + jnp.sum(jnp.exp(logits - m_new), axis=1, keepdims=True))
    m_ref[...] = m_new

    base = v * SV
    colidx = jax.lax.broadcasted_iota(jnp.int32, (BK, SV), 1) + base
    sv_v, sv_i = _extract_top8(logits, colidx)
    mv = jnp.concatenate([sv_v, topv_ref[...]], axis=1)
    mi = jnp.concatenate([sv_i, topi_ref[...]], axis=1)
    nt_v, nt_i = _extract_top8(mv, mi)
    topv_ref[...] = nt_v
    topi_ref[...] = nt_i

    @pl.when(v == nv - 1)
    def _fin():
        lse = m_ref[...] + jnp.log(s_ref[...])
        lse_ref[...] = jnp.broadcast_to(lse, (BK, K))


def _run_step(x, h, W_ih, W_hh, b_ih, b_hh, W_out_p, b_out_p):
    f32 = jnp.float32
    out_shapes = (
        jax.ShapeDtypeStruct((BK, V_PAD), f32),
        jax.ShapeDtypeStruct((BK, H), f32),
        jax.ShapeDtypeStruct((BK, K), f32),
        jax.ShapeDtypeStruct((BK, K), jnp.int32),
        jax.ShapeDtypeStruct((BK, K), f32),
    )
    const = lambda v: (0, 0)
    return pl.pallas_call(
        _step_kernel,
        grid=(NV,),
        in_specs=[
            pl.BlockSpec((BK, H), const),
            pl.BlockSpec((BK, H), const),
            pl.BlockSpec((H, 3 * H), const),
            pl.BlockSpec((H, 3 * H), const),
            pl.BlockSpec((1, 3 * H), const),
            pl.BlockSpec((1, 3 * H), const),
            pl.BlockSpec((H, SV), lambda v: (0, v)),
            pl.BlockSpec((1, SV), lambda v: (0, v)),
        ],
        out_specs=(
            pl.BlockSpec((BK, SV), lambda v: (0, v)),
            pl.BlockSpec((BK, H), const),
            pl.BlockSpec((BK, K), const),
            pl.BlockSpec((BK, K), const),
            pl.BlockSpec((BK, K), const),
        ),
        out_shape=out_shapes,
        scratch_shapes=[
            pltpu.VMEM((BK, 1), f32),
            pltpu.VMEM((BK, 1), f32),
        ],
        compiler_params=pltpu.CompilerParams(
            dimension_semantics=("arbitrary",)),
    )(x, h, W_ih, W_hh, b_ih, b_hh, W_out_p, b_out_p)


def _gather_kernel(sel_ref, logits_ref, lse_ref, out_ref):
    del sel_ref
    out_ref[...] = logits_ref[...] - lse_ref[0, 0, 0]


def _gather_step(logits, lse_sel, sel):
    B = sel.shape[0]
    logits4 = logits.reshape(BK, 1, 1, V_PAD)
    grid_spec = pltpu.PrefetchScalarGridSpec(
        num_scalar_prefetch=1,
        grid=(B,),
        in_specs=[
            pl.BlockSpec((1, 1, 1, V_PAD), lambda b, sel_ref: (sel_ref[b], 0, 0, 0)),
            pl.BlockSpec((1, 1, H), lambda b, sel_ref: (b, 0, 0)),
        ],
        out_specs=pl.BlockSpec((1, 1, 1, V_PAD), lambda b, sel_ref: (b, 0, 0, 0)),
    )
    lse3 = jnp.broadcast_to(lse_sel[:, None, None], (B, 1, H))
    out4 = pl.pallas_call(
        _gather_kernel,
        grid_spec=grid_spec,
        out_shape=jax.ShapeDtypeStruct((B, 1, 1, V_PAD), jnp.float32),
        compiler_params=pltpu.CompilerParams(
            dimension_semantics=("arbitrary",)),
    )(sel, logits4, lse3)
    return out4.reshape(B, V_PAD)


def kernel(batch_size, max_length, encoder_hidden, emb, W_ih, W_hh, b_ih, b_hh, W_out, b_out):
    B = encoder_hidden.shape[1]
    T = 8
    f32 = jnp.float32
    pos_index = jnp.arange(B) * K + (jnp.asarray(batch_size) - B).astype(jnp.int32)

    W_out_p = jnp.pad(W_out, ((0, 0), (0, V_PAD - V)))
    b_out_p = jnp.pad(b_out, (0, V_PAD - V), constant_values=NEGBIG / 2).reshape(1, V_PAD)
    b_ih2 = b_ih.reshape(1, 3 * H)
    b_hh2 = b_hh.reshape(1, 3 * H)

    h = jnp.repeat(encoder_hidden[0], K, axis=0)
    seq_scores = jnp.full((BK,), NEG, dtype=f32).at[pos_index].set(0.0)
    input_var = jnp.full((BK,), SOS, dtype=jnp.int32) + (jnp.asarray(max_length) - T).astype(jnp.int32)

    stored_logits = []
    stored_lse = []
    stored_pred = []
    for _ in range(T):
        x = jnp.take(emb, input_var, axis=0)
        logits, h_new, topv, topi, lse_b = _run_step(
            x, h, W_ih, W_hh, b_ih2, b_hh2, W_out_p, b_out_p)
        lse = lse_b[:, 0]
        stored_logits.append(logits)
        stored_lse.append(lse)

        total = seq_scores[:, None] + topv - lse[:, None]
        cand_val = total.reshape(B, K * K)
        scores, cidx = jax.lax.top_k(cand_val, K)
        src_beam = cidx // K
        src_slot = cidx % K
        rows = (pos_index[:, None] + src_beam).reshape(BK)
        input_var = topi[rows, src_slot.reshape(BK)].astype(jnp.int32)
        predecessors = rows
        stored_pred.append(predecessors)
        seq_scores = scores.reshape(BK)
        h = h_new[predecessors]
        seq_scores = jnp.where(input_var == EOS, NEG, seq_scores)

    sorted_score, sorted_idx = jax.lax.top_k(seq_scores.reshape(B, K), K)
    t_pred = (sorted_idx + pos_index[:, None]).reshape(BK)
    outs = []
    for t in range(T - 1, -1, -1):
        sel = t_pred.reshape(B, K)[:, 0]
        out_t = _gather_step(stored_logits[t], stored_lse[t][sel], sel)
        outs.append(out_t)
        t_pred = stored_pred[t][t_pred]
    outs = outs[::-1]
    decoder_outputs = jnp.stack(outs, axis=0)[:, :, :V]
    return decoder_outputs, sorted_score

# --- scband reference (transcript-rebuilt; emitter-appended) ---
"""Pipeline reference for scband-top-kdecoder-76785425318455 (READ-ONLY COPY).

The authoritative reference and input builder live on the scoring server;
editing this copy changes nothing except your own understanding.
"""

import jax, jax.numpy as jnp
import numpy as np

V = 100000
H = 128
K = 8
SOS = 1
EOS = 2
NEG = -1e9


def setup_inputs(seed: int = 0):
    key = jax.random.key(seed)
    ks = jax.random.split(key, 8)
    B = 16
    T = 8
    return {
        "batch_size": B,
        "max_length": T,
        "encoder_hidden": jax.random.normal(ks[0], (1, B, H), dtype=jnp.float32),
        "emb": jax.random.normal(ks[1], (V, H), dtype=jnp.float32) * 0.05,
        "W_ih": jax.random.normal(ks[2], (H, 3 * H), dtype=jnp.float32) * 0.05,
        "W_hh": jax.random.normal(ks[3], (H, 3 * H), dtype=jnp.float32) * 0.05,
        "b_ih": jnp.zeros((3 * H,), dtype=jnp.float32),
        "b_hh": jnp.zeros((3 * H,), dtype=jnp.float32),
        "W_out": jax.random.normal(ks[4], (H, V), dtype=jnp.float32) * 0.05,
        "b_out": jnp.zeros((V,), dtype=jnp.float32),
    }


def _gru_step(x, h, W_ih, W_hh, b_ih, b_hh):
    gi = x @ W_ih + b_ih
    gh = h @ W_hh + b_hh
    i_r, i_z, i_n = jnp.split(gi, 3, axis=1)
    h_r, h_z, h_n = jnp.split(gh, 3, axis=1)
    r = jax.nn.sigmoid(i_r + h_r)
    z = jax.nn.sigmoid(i_z + h_z)
    n = jnp.tanh(i_n + r * h_n)
    return (1.0 - z) * n + z * h


def reference(batch_size, max_length, encoder_hidden, emb, W_ih, W_hh, b_ih, b_hh, W_out, b_out):
    B = encoder_hidden.shape[1]
    T = 8
    pos_index = jnp.arange(B) * K + (jnp.asarray(batch_size) - B).astype(jnp.int32)  # [B]

    # inflate hidden state k times along batch dim (grouped per-batch beam layout)
    h = jnp.repeat(encoder_hidden[0], K, axis=0)  # [B*K, H]

    # sequence scores: beam 0 of each batch = 0, rest = -inf (use -1e9 for stability)
    seq_scores = jnp.full((B * K, 1), NEG, dtype=jnp.float32)
    seq_scores = seq_scores.at[pos_index].set(0.0)

    input_var = jnp.full((B * K,), SOS, dtype=jnp.int32) + (jnp.asarray(max_length) - T).astype(jnp.int32)

    stored_outputs = []
    stored_pred = []
    for _ in range(T):
        # one decoder_rnn.forward_step: embed -> GRU cell -> vocab projection -> log_softmax
        x = emb[input_var]  # gather [B*K, H]
        h = _gru_step(x, h, W_ih, W_hh, b_ih, b_hh)
        logits = h @ W_out + b_out
        log_probs = jax.nn.log_softmax(logits, axis=-1)  # [B*K, V]
        stored_outputs.append(log_probs)

        # inflate scores over vocab and accumulate
        total = seq_scores + log_probs  # [B*K, V]
        scores, candidates = jax.lax.top_k(total.reshape(B, K * V), K)  # [B, K]
        input_var = (candidates % V).reshape(B * K).astype(jnp.int32)
        seq_scores = scores.reshape(B * K, 1)
        predecessors = (candidates // V + pos_index[:, None]).reshape(B * K)
        stored_pred.append(predecessors)

        # reorder hidden state by predecessor beams (index_select)
        h = h[predecessors]

        # mask finished beams
        eos_mask = input_var == EOS
        seq_scores = jnp.where(eos_mask[:, None], NEG, seq_scores)

    # backtrack (simplified: no per-EOS slot reassignment)
    sorted_score, sorted_idx = jax.lax.top_k(seq_scores.reshape(B, K), K)
    t_pred = (sorted_idx + pos_index[:, None]).reshape(B * K)
    outs = []
    for t in range(T - 1, -1, -1):
        outs.append(stored_outputs[t][t_pred])
        t_pred = stored_pred[t][t_pred]
    outs = outs[::-1]
    # decoder_outputs: top beam (beam 0) per batch at each step -> [T, B, V]
    decoder_outputs = jnp.stack([o.reshape(B, K, V)[:, 0, :] for o in outs], axis=0)
    return decoder_outputs, sorted_score

if __name__ == "__main__":
    import jax
    _d = setup_inputs()
    print(jax.jit(kernel)(*tuple(_d.values())))

</pallas_src>

<mosaic_0001>
module attributes {stable_mosaic.version = 14 : i64} {
  func.func @_step_kernel(%arg0: i32, %arg1: memref<128x128xf32, #tpu.memory_space<vmem>>, %arg2: memref<128x128xf32, #tpu.memory_space<vmem>>, %arg3: memref<128x384xf32, #tpu.memory_space<vmem>>, %arg4: memref<128x384xf32, #tpu.memory_space<vmem>>, %arg5: memref<1x384xf32, #tpu.memory_space<vmem>>, %arg6: memref<1x384xf32, #tpu.memory_space<vmem>>, %arg7: memref<128x2048xf32, #tpu.memory_space<vmem>>, %arg8: memref<1x2048xf32, #tpu.memory_space<vmem>>, %arg9: memref<128x2048xf32, #tpu.memory_space<vmem>>, %arg10: memref<128x128xf32, #tpu.memory_space<vmem>>, %arg11: memref<128x8xf32, #tpu.memory_space<vmem>>, %arg12: memref<128x8xi32, #tpu.memory_space<vmem>>, %arg13: memref<128x8xf32, #tpu.memory_space<vmem>>, %arg14: memref<128x1xf32, #tpu.memory_space<vmem>>, %arg15: memref<128x1xf32, #tpu.memory_space<vmem>>) attributes {dimension_semantics = [#tpu.dimension_semantics<arbitrary>], iteration_bounds = array<i64: 50>, scalar_prefetch = 0 : i64, scratch_operands = 2 : i64, tpu.core_type = #tpu.core_type<tc>, window_params = [{pipeline_mode = #tpu.pipeline_mode<synchronous>, transform_indices = @transform_0, window_bounds = array<i64: 128, 128>}, {pipeline_mode = #tpu.pipeline_mode<synchronous>, transform_indices = @transform_1, window_bounds = array<i64: 128, 128>}, {pipeline_mode = #tpu.pipeline_mode<synchronous>, transform_indices = @transform_2, window_bounds = array<i64: 128, 384>}, {pipeline_mode = #tpu.pipeline_mode<synchronous>, transform_indices = @transform_3, window_bounds = array<i64: 128, 384>}, {pipeline_mode = #tpu.pipeline_mode<synchronous>, transform_indices = @transform_4, window_bounds = array<i64: 1, 384>}, {pipeline_mode = #tpu.pipeline_mode<synchronous>, transform_indices = @transform_5, window_bounds = array<i64: 1, 384>}, {transform_indices = @transform_6, window_bounds = array<i64: 128, 2048>}, {transform_indices = @transform_7, window_bounds = array<i64: 1, 2048>}, {transform_indices = @transform_8, window_bounds = array<i64: 128, 2048>}, {pipeline_mode = #tpu.pipeline_mode<synchronous>, transform_indices = @transform_9, window_bounds = array<i64: 128, 128>}, {pipeline_mode = #tpu.pipeline_mode<synchronous>, transform_indices = @transform_10, window_bounds = array<i64: 128, 8>}, {pipeline_mode = #tpu.pipeline_mode<synchronous>, transform_indices = @transform_11, window_bounds = array<i64: 128, 8>}, {pipeline_mode = #tpu.pipeline_mode<synchronous>, transform_indices = @transform_12, window_bounds = array<i64: 128, 8>}]} {
    %eq3A = arith.constant 0 : i32
    %eq3A_0 = arith.cmpi eq, %arg0, %eq3A : i32
    %convert_element_type3A = arith.extui %eq3A_0 : i1 to i32
    %cond3A = arith.constant 0 : i32
    %cond3A_1 = arith.cmpi ne, %convert_element_type3A, %cond3A : i32
    scf.if %cond3A_1 {
      %get3A_301 = arith.constant 0 : index
      %get3A_302 = arith.constant 0 : index
      %get3A_303 = vector.load %arg1[%get3A_301, %get3A_302] : memref<128x128xf32, #tpu.memory_space<vmem>>, vector<128x128xf32>
      %get3A_304 = arith.constant 0 : index
      %get3A_305 = arith.constant 0 : index
      %get3A_306 = vector.load %arg2[%get3A_304, %get3A_305] : memref<128x128xf32, #tpu.memory_space<vmem>>, vector<128x128xf32>
      %get3A_307 = arith.constant 0 : index
      %get3A_308 = arith.constant 0 : index
      %get3A_309 = vector.load %arg3[%get3A_307, %get3A_308] : memref<128x384xf32, #tpu.memory_space<vmem>>, vector<128x384xf32>
      %dot_general3A_310 = arith.constant dense<0.000000e+00> : vector<128x384xf32>
      %dot_general3A_311 = tpu.matmul %get3A_303, %get3A_309, %dot_general3A_310 {dimension_numbers = #tpu.dot_dimension_numbers<[1], [0], [0], [1], [0, 0, 1, 1], [], []>, transpose_lhs_hint = false} : vector<128x128xf32>, vector<128x384xf32>, vector<128x384xf32> -> vector<128x384xf32>
      %get3A_312 = arith.constant 0 : index
      %get3A_313 = arith.constant 0 : index
      %get3A_314 = vector.load %arg5[%get3A_312, %get3A_313] : memref<1x384xf32, #tpu.memory_space<vmem>>, vector<1x384xf32>
      %add3A_315 = vector.broadcast %get3A_314 : vector<1x384xf32> to vector<128x384xf32>
      %add3A_316 = arith.addf %dot_general3A_311, %add3A_315 : vector<128x384xf32>
      %get3A_317 = arith.constant 0 : index
      %get3A_318 = arith.constant 0 : index
      %get3A_319 = vector.load %arg4[%get3A_317, %get3A_318] : memref<128x384xf32, #tpu.memory_space<vmem>>, vector<128x384xf32>
      %dot_general3A_320 = arith.constant dense<0.000000e+00> : vector<128x384xf32>
      %dot_general3A_321 = tpu.matmul %get3A_306, %get3A_319, %dot_general3A_320 {dimension_numbers = #tpu.dot_dimension_numbers<[1], [0], [0], [1], [0, 0, 1, 1], [], []>, transpose_lhs_hint = false} : vector<128x128xf32>, vector<128x384xf32>, vector<128x384xf32> -> vector<128x384xf32>
      %get3A_322 = arith.constant 0 : index
      %get3A_323 = arith.constant 0 : index
      %get3A_324 = vector.load %arg6[%get3A_322, %get3A_323] : memref<1x384xf32, #tpu.memory_space<vmem>>, vector<1x384xf32>
      %add3A_325 = vector.broadcast %get3A_324 : vector<1x384xf32> to vector<128x384xf32>
      %add3A_326 = arith.addf %dot_general3A_321, %add3A_325 : vector<128x384xf32>
      %slice3A = vector.extract_strided_slice %add3A_316 {offsets = [0, 0], sizes = [128, 128], strides = [1, 1]} : vector<128x384xf32> to vector<128x128xf32>
      %slice3A_327 = vector.extract_strided_slice %add3A_316 {offsets = [0, 128], sizes = [128, 128], strides = [1, 1]} : vector<128x384xf32> to vector<128x128xf32>
      %slice3A_328 = vector.extract_strided_slice %add3A_316 {offsets = [0, 256], sizes = [128, 128], strides = [1, 1]} : vector<128x384xf32> to vector<128x128xf32>
      %slice3A_329 = vector.extract_strided_slice %add3A_326 {offsets = [0, 0], sizes = [128, 128], strides = [1, 1]} : vector<128x384xf32> to vector<128x128xf32>
      %slice3A_330 = vector.extract_strided_slice %add3A_326 {offsets = [0, 128], sizes = [128, 128], strides = [1, 1]} : vector<128x384xf32> to vector<128x128xf32>
      %slice3A_331 = vector.extract_strided_slice %add3A_326 {offsets = [0, 256], sizes = [128, 128], strides = [1, 1]} : vector<128x384xf32> to vector<128x128xf32>
      %add3A_332 = arith.addf %slice3A, %slice3A_329 : vector<128x128xf32>
      %logistic3A = arith.negf %add3A_332 : vector<128x128xf32>
      %logistic3A_333 = math.exp %logistic3A : vector<128x128xf32>
      %logistic3A_334 = arith.constant 1.000000e+00 : f32
      %logistic3A_335 = vector.broadcast %logistic3A_334 : f32 to vector<128x128xf32>
      %logistic3A_336 = arith.addf %logistic3A_335, %logistic3A_333 : vector<128x128xf32>
      %logistic3A_337 = arith.divf %logistic3A_335, %logistic3A_336 : vector<128x128xf32>
      %add3A_338 = arith.addf %slice3A_327, %slice3A_330 : vector<128x128xf32>
      %logistic3A_339 = arith.negf %add3A_338 : vector<128x128xf32>
      %logistic3A_340 = math.exp %logistic3A_339 : vector<128x128xf32>
      %logistic3A_341 = arith.constant 1.000000e+00 : f32
      %logistic3A_342 = vector.broadcast %logistic3A_341 : f32 to vector<128x128xf32>
      %logistic3A_343 = arith.addf %logistic3A_342, %logistic3A_340 : vector<128x128xf32>
      %logistic3A_344 = arith.divf %logistic3A_342, %logistic3A_343 : vector<128x128xf32>
      %mul3A_345 = arith.mulf %logistic3A_337, %slice3A_331 : vector<128x128xf32>
      %add3A_346 = arith.addf %slice3A_328, %mul3A_345 : vector<128x128xf32>
      %tanh3A = math.tanh %add3A_346 : vector<128x128xf32>
      %sub3A_347 = arith.constant 1.000000e+00 : f32
      %sub3A_348 = vector.broadcast %sub3A_347 : f32 to vector<128x128xf32>
      %sub3A_349 = arith.subf %sub3A_348, %logistic3A_344 : vector<128x128xf32>
      %mul3A_350 = arith.mulf %sub3A_349, %tanh3A : vector<128x128xf32>
      %mul3A_351 = arith.mulf %logistic3A_344, %get3A_306 : vector<128x128xf32>
      %add3A_352 = arith.addf %mul3A_350, %mul3A_351 : vector<128x128xf32>
      %swap3A_353 = arith.constant 0 : index
      %swap3A_354 = arith.constant 0 : index
      %swap3A_355 = vector.load %arg10[%swap3A_353, %swap3A_354] : memref<128x128xf32, #tpu.memory_space<vmem>>, vector<128x128xf32>
      tpu.vector_store %arg10[%swap3A_353, %swap3A_354], %add3A_352 {strides = array<i32>} : memref<128x128xf32, #tpu.memory_space<vmem>>, vector<128x128xf32>,
      %broadcast_in_dim3A_356 = arith.constant -3.000000e+38 : f32
      %broadcast_in_dim3A_357 = vector.broadcast %broadcast_in_dim3A_356 : f32 to vector<128x1xf32>
      %swap3A_358 = arith.constant 0 : index
      %swap3A_359 = arith.constant 0 : index
      %swap3A_360 = vector.load %arg14[%swap3A_358, %swap3A_359] : memref<128x1xf32, #tpu.memory_space<vmem>>, vector<128x1xf32>
      tpu.vector_store %arg14[%swap3A_358, %swap3A_359], %broadcast_in_dim3A_357 {strides = array<i32>} : memref<128x1xf32, #tpu.memory_space<vmem>>, vector<128x1xf32>,
      %broadcast_in_dim3A_361 = arith.constant 0.000000e+00 : f32
      %broadcast_in_dim3A_362 = vector.broadcast %broadcast_in_dim3A_361 : f32 to vector<128x1xf32>
      %swap3A_363 = arith.constant 0 : index
      %swap3A_364 = arith.constant 0 : index
      %swap3A_365 = vector.load %arg15[%swap3A_363, %swap3A_364] : memref<128x1xf32, #tpu.memory_space<vmem>>, vector<128x1xf32>
      tpu.vector_store %arg15[%swap3A_363, %swap3A_364], %broadcast_in_dim3A_362 {strides = array<i32>} : memref<128x1xf32, #tpu.memory_space<vmem>>, vector<128x1xf32>,
      %broadcast_in_dim3A_366 = arith.constant -3.000000e+38 : f32
      %broadcast_in_dim3A_367 = vector.broadcast %broadcast_in_dim3A_366 : f32 to vector<128x8xf32>
      %swap3A_368 = arith.constant 0 : index
      %swap3A_369 = arith.constant 0 : index
      %swap3A_370 = vector.load %arg11[%swap3A_368, %swap3A_369] : memref<128x8xf32, #tpu.memory_space<vmem>>, vector<128x8xf32>
      tpu.vector_store %arg11[%swap3A_368, %swap3A_369], %broadcast_in_dim3A_367 {strides = array<i32>} : memref<128x8xf32, #tpu.memory_space<vmem>>, vector<128x8xf32>,
      %broadcast_in_dim3A_371 = arith.constant 0 : i32
      %broadcast_in_dim3A_372 = vector.broadcast %broadcast_in_dim3A_371 : i32 to vector<128x8xi32>
      %swap3A_373 = arith.constant 0 : index
      %swap3A_374 = arith.constant 0 : index
      %swap3A_375 = vector.load %arg12[%swap3A_373, %swap3A_374] : memref<128x8xi32, #tpu.memory_space<vmem>>, vector<128x8xi32>
      tpu.vector_store %arg12[%swap3A_373, %swap3A_374], %broadcast_in_dim3A_372 {strides = array<i32>} : memref<128x8xi32, #tpu.memory_space<vmem>>, vector<128x8xi32>,
    } else {
    }
    %get3A = arith.constant 0 : index
    %get3A_2 = arith.constant 0 : index
    %get3A_3 = vector.load %arg10[%get3A, %get3A_2] : memref<128x128xf32, #tpu.memory_space<vmem>>, vector<128x128xf32>
    %get3A_4 = arith.constant 0 : index
    %get3A_5 = arith.constant 0 : index
    %get3A_6 = vector.load %arg7[%get3A_4, %get3A_5] : memref<128x2048xf32, #tpu.memory_space<vmem>>, vector<128x2048xf32>
    %dot_general3A = arith.constant dense<0.000000e+00> : vector<128x2048xf32>
    %dot_general3A_7 = tpu.matmul %get3A_3, %get3A_6, %dot_general3A {dimension_numbers = #tpu.dot_dimension_numbers<[1], [0], [0], [1], [0, 0, 1, 1], [], []>, transpose_lhs_hint = false} : vector<128x128xf32>, vector<128x2048xf32>, vector<128x2048xf32> -> vector<128x2048xf32>
    %get3A_8 = arith.constant 0 : index
    %get3A_9 = arith.constant 0 : index
    %get3A_10 = vector.load %arg8[%get3A_8, %get3A_9] : memref<1x2048xf32, #tpu.memory_space<vmem>>, vector<1x2048xf32>
    %add3A = vector.broadcast %get3A_10 : vector<1x2048xf32> to vector<128x2048xf32>
    %add3A_11 = arith.addf %dot_general3A_7, %add3A : vector<128x2048xf32>
    %swap3A = arith.constant 0 : index
    %swap3A_12 = arith.constant 0 : index
    %swap3A_13 = vector.load %arg9[%swap3A, %swap3A_12] : memref<128x2048xf32, #tpu.memory_space<vmem>>, vector<128x2048xf32>
    tpu.vector_store %arg9[%swap3A, %swap3A_12], %add3A_11 {strides = array<i32>} : memref<128x2048xf32, #tpu.memory_space<vmem>>, vector<128x2048xf32>,
    %reduce_max3A = arith.constant dense<0xFF800000> : vector<128xf32>
    %reduce_max3A_14 = vector.multi_reduction <maximumf>, %add3A_11, %reduce_max3A [1] : vector<128x2048xf32> to vector<128xf32>
    %broadcast_in_dim3A = vector.shape_cast %reduce_max3A_14 : vector<128xf32> to vector<128x1xf32>
    %get3A_15 = arith.constant 0 : index
    %get3A_16 = arith.constant 0 : index
    %get3A_17 = vector.load %arg14[%get3A_15, %get3A_16] : memref<128x1xf32, #tpu.memory_space<vmem>>, vector<128x1xf32>
    %max3A = arith.maximumf %get3A_17, %broadcast_in_dim3A : vector<128x1xf32>
    %get3A_18 = arith.constant 0 : index
    %get3A_19 = arith.constant 0 : index
    %get3A_20 = vector.load %arg15[%get3A_18, %get3A_19] : memref<128x1xf32, #tpu.memory_space<vmem>>, vector<128x1xf32>
    %sub3A = arith.subf %get3A_17, %max3A : vector<128x1xf32>
    %exp3A = math.exp %sub3A : vector<128x1xf32>
    %mul3A = arith.mulf %get3A_20, %exp3A : vector<128x1xf32>
    %sub3A_21 = vector.broadcast %max3A : vector<128x1xf32> to vector<128x2048xf32>
    %sub3A_22 = arith.subf %add3A_11, %sub3A_21 : vector<128x2048xf32>
    %exp3A_23 = math.exp %sub3A_22 : vector<128x2048xf32>
    %reduce_sum3A = arith.constant dense<0.000000e+00> : vector<128xf32>
    %reduce_sum3A_24 = vector.multi_reduction <add>, %exp3A_23, %reduce_sum3A [1] : vector<128x2048xf32> to vector<128xf32>
    %broadcast_in_dim3A_25 = vector.shape_cast %reduce_sum3A_24 : vector<128xf32> to vector<128x1xf32>
    %add3A_26 = arith.addf %mul3A, %broadcast_in_dim3A_25 : vector<128x1xf32>
    %swap3A_27 = arith.constant 0 : index
    %swap3A_28 = arith.constant 0 : index
    %swap3A_29 = vector.load %arg15[%swap3A_27, %swap3A_28] : memref<128x1xf32, #tpu.memory_space<vmem>>, vector<128x1xf32>
    tpu.vector_store %arg15[%swap3A_27, %swap3A_28], %add3A_26 {strides = array<i32>} : memref<128x1xf32, #tpu.memory_space<vmem>>, vector<128x1xf32>,
    %swap3A_30 = arith.constant 0 : index
    %swap3A_31 = arith.constant 0 : index
    %swap3A_32 = vector.load %arg14[%swap3A_30, %swap3A_31] : memref<128x1xf32, #tpu.memory_space<vmem>>, vector<128x1xf32>
    tpu.vector_store %arg14[%swap3A_30, %swap3A_31], %max3A {strides = array<i32>} : memref<128x1xf32, #tpu.memory_space<vmem>>, vector<128x1xf32>,
    %mul3A_33 = arith.constant 2048 : i32
    %mul3A_34 = arith.muli %arg0, %mul3A_33 : i32
    %iota3A = tpu.iota {dimensions = array<i32: 1>} : vector<128x2048xi32>
    %add3A_35 = vector.broadcast %mul3A_34 : i32 to vector<128x2048xi32>
    %add3A_36 = arith.addi %iota3A, %add3A_35 : vector<128x2048xi32>
    %reduce_max3A_37 = arith.constant dense<0xFF800000> : vector<128xf32>
    %reduce_max3A_38 = vector.multi_reduction <maximumf>, %add3A_11, %reduce_max3A_37 [1] : vector<128x2048xf32> to vector<128xf32>
    %broadcast_in_dim3A_39 = vector.shape_cast %reduce_max3A_38 : vector<128xf32> to vector<128x1xf32>
    %ge3A = vector.broadcast %broadcast_in_dim3A_39 : vector<128x1xf32> to vector<128x2048xf32>
    %ge3A_40 = arith.cmpf oge, %add3A_11, %ge3A : vector<128x2048xf32>
    %jit3A = arith.constant 2147483647 : i32
    %broadcast_in_dim3A_41 = vector.broadcast %jit3A : i32 to vector<128x2048xi32>
    %select_n3A = arith.select %ge3A_40, %add3A_36, %broadcast_in_dim3A_41 : vector<128x2048xi1>, vector<128x2048xi32>
    %reduce_min3A = arith.constant dense<2147483647> : vector<128xi32>
    %reduce_min3A_42 = vector.multi_reduction <minsi>, %select_n3A, %reduce_min3A [1] : vector<128x2048xi32> to vector<128xi32>
    %broadcast_in_dim3A_43 = vector.shape_cast %reduce_min3A_42 : vector<128xi32> to vector<128x1xi32>
    %eq3A_44 = vector.broadcast %broadcast_in_dim3A_43 : vector<128x1xi32> to vector<128x2048xi32>
    %eq3A_45 = arith.cmpi eq, %add3A_36, %eq3A_44 : vector<128x2048xi32>
    %jit3A_46 = arith.constant -3.000000e+38 : f32
    %broadcast_in_dim3A_47 = vector.broadcast %jit3A_46 : f32 to vector<128x2048xf32>
    %select_n3A_48 = arith.select %eq3A_45, %broadcast_in_dim3A_47, %add3A_11 : vector<128x2048xi1>, vector<128x2048xf32>
    %reduce_max3A_49 = arith.constant dense<0xFF800000> : vector<128xf32>
    %reduce_max3A_50 = vector.multi_reduction <maximumf>, %select_n3A_48, %reduce_max3A_49 [1] : vector<128x2048xf32> to vector<128xf32>
    %broadcast_in_dim3A_51 = vector.shape_cast %reduce_max3A_50 : vector<128xf32> to vector<128x1xf32>
    %ge3A_52 = vector.broadcast %broadcast_in_dim3A_51 : vector<128x1xf32> to vector<128x2048xf32>
    %ge3A_53 = arith.cmpf oge, %select_n3A_48, %ge3A_52 : vector<128x2048xf32>
    %jit3A_54 = arith.constant 2147483647 : i32
    %broadcast_in_dim3A_55 = vector.broadcast %jit3A_54 : i32 to vector<128x2048xi32>
    %select_n3A_56 = arith.select %ge3A_53, %add3A_36, %broadcast_in_dim3A_55 : vector<128x2048xi1>, vector<128x2048xi32>
    %reduce_min3A_57 = arith.constant dense<2147483647> : vector<128xi32>
    %reduce_min3A_58 = vector.multi_reduction <minsi>, %select_n3A_56, %reduce_min3A_57 [1] : vector<128x2048xi32> to vector<128xi32>
    %broadcast_in_dim3A_59 = vector.shape_cast %reduce_min3A_58 : vector<128xi32> to vector<128x1xi32>
    %eq3A_60 = vector.broadcast %broadcast_in_dim3A_59 : vector<128x1xi32> to vector<128x2048xi32>
    %eq3A_61 = arith.cmpi eq, %add3A_36, %eq3A_60 : vector<128x2048xi32>
    %jit3A_62 = arith.constant -3.000000e+38 : f32
    %broadcast_in_dim3A_63 = vector.broadcast %jit3A_62 : f32 to vector<128x2048xf32>
    %select_n3A_64 = arith.select %eq3A_61, %broadcast_in_dim3A_63, %select_n3A_48 : vector<128x2048xi1>, vector<128x2048xf32>
    %reduce_max3A_65 = arith.constant dense<0xFF800000> : vector<128xf32>
    %reduce_max3A_66 = vector.multi_reduction <maximumf>, %select_n3A_64, %reduce_max3A_65 [1] : vector<128x2048xf32> to vector<128xf32>
    %broadcast_in_dim3A_67 = vector.shape_cast %reduce_max3A_66 : vector<128xf32> to vector<128x1xf32>
    %ge3A_68 = vector.broadcast %broadcast_in_dim3A_67 : vector<128x1xf32> to vector<128x2048xf32>
    %ge3A_69 = arith.cmpf oge, %select_n3A_64, %ge3A_68 : vector<128x2048xf32>
    %jit3A_70 = arith.constant 2147483647 : i32
    %broadcast_in_dim3A_71 = vector.broadcast %jit3A_70 : i32 to vector<128x2048xi32>
    %select_n3A_72 = arith.select %ge3A_69, %add3A_36, %broadcast_in_dim3A_71 : vector<128x2048xi1>, vector<128x2048xi32>
    %reduce_min3A_73 = arith.constant dense<2147483647> : vector<128xi32>
    %reduce_min3A_74 = vector.multi_reduction <minsi>, %select_n3A_72, %reduce_min3A_73 [1] : vector<128x2048xi32> to vector<128xi32>
    %broadcast_in_dim3A_75 = vector.shape_cast %reduce_min3A_74 : vector<128xi32> to vector<128x1xi32>
    %eq3A_76 = vector.broadcast %broadcast_in_dim3A_75 : vector<128x1xi32> to vector<128x2048xi32>
    %eq3A_77 = arith.cmpi eq, %add3A_36, %eq3A_76 : vector<128x2048xi32>
    %jit3A_78 = arith.constant -3.000000e+38 : f32
    %broadcast_in_dim3A_79 = vector.broadcast %jit3A_78 : f32 to vector<128x2048xf32>
    %select_n3A_80 = arith.select %eq3A_77, %broadcast_in_dim3A_79, %select_n3A_64 : vector<128x2048xi1>, vector<128x2048xf32>
    %reduce_max3A_81 = arith.constant dense<0xFF800000> : vector<128xf32>
    %reduce_max3A_82 = vector.multi_reduction <maximumf>, %select_n3A_80, %reduce_max3A_81 [1] : vector<128x2048xf32> to vector<128xf32>
    %broadcast_in_dim3A_83 = vector.shape_cast %reduce_max3A_82 : vector<128xf32> to vector<128x1xf32>
    %ge3A_84 = vector.broadcast %broadcast_in_dim3A_83 : vector<128x1xf32> to vector<128x2048xf32>
    %ge3A_85 = arith.cmpf oge, %select_n3A_80, %ge3A_84 : vector<128x2048xf32>
    %jit3A_86 = arith.constant 2147483647 : i32
    %broadcast_in_dim3A_87 = vector.broadcast %jit3A_86 : i32 to vector<128x2048xi32>
    %select_n3A_88 = arith.select %ge3A_85, %add3A_36, %broadcast_in_dim3A_87 : vector<128x2048xi1>, vector<128x2048xi32>
    %reduce_min3A_89 = arith.constant dense<2147483647> : vector<128xi32>
    %reduce_min3A_90 = vector.multi_reduction <minsi>, %select_n3A_88, %reduce_min3A_89 [1] : vector<128x2048xi32> to vector<128xi32>
    %broadcast_in_dim3A_91 = vector.shape_cast %reduce_min3A_90 : vector<128xi32> to vector<128x1xi32>
    %eq3A_92 = vector.broadcast %broadcast_in_dim3A_91 : vector<128x1xi32> to vector<128x2048xi32>
    %eq3A_93 = arith.cmpi eq, %add3A_36, %eq3A_92 : vector<128x2048xi32>
    %jit3A_94 = arith.constant -3.000000e+38 : f32
    %broadcast_in_dim3A_95 = vector.broadcast %jit3A_94 : f32 to vector<128x2048xf32>
    %select_n3A_96 = arith.select %eq3A_93, %broadcast_in_dim3A_95, %select_n3A_80 : vector<128x2048xi1>, vector<128x2048xf32>
    %reduce_max3A_97 = arith.constant dense<0xFF800000> : vector<128xf32>
    %reduce_max3A_98 = vector.multi_reduction <maximumf>, %select_n3A_96, %reduce_max3A_97 [1] : vector<128x2048xf32> to vector<128xf32>
    %broadcast_in_dim3A_99 = vector.shape_cast %reduce_max3A_98 : vector<128xf32> to vector<128x1xf32>
    %ge3A_100 = vector.broadcast %broadcast_in_dim3A_99 : vector<128x1xf32> to vector<128x2048xf32>
    %ge3A_101 = arith.cmpf oge, %select_n3A_96, %ge3A_100 : vector<128x2048xf32>
    %jit3A_102 = arith.constant 2147483647 : i32
    %broadcast_in_dim3A_103 = vector.broadcast %jit3A_102 : i32 to vector<128x2048xi32>
    %select_n3A_104 = arith.select %ge3A_101, %add3A_36, %broadcast_in_dim3A_103 : vector<128x2048xi1>, vector<128x2048xi32>
    %reduce_min3A_105 = arith.constant dense<2147483647> : vector<128xi32>
    %reduce_min3A_106 = vector.multi_reduction <minsi>, %select_n3A_104, %reduce_min3A_105 [1] : vector<128x2048xi32> to vector<128xi32>
    %broadcast_in_dim3A_107 = vector.shape_cast %reduce_min3A_106 : vector<128xi32> to vector<128x1xi32>
    %eq3A_108 = vector.broadcast %broadcast_in_dim3A_107 : vector<128x1xi32> to vector<128x2048xi32>
    %eq3A_109 = arith.cmpi eq, %add3A_36, %eq3A_108 : vector<128x2048xi32>
    %jit3A_110 = arith.constant -3.000000e+38 : f32
    %broadcast_in_dim3A_111 = vector.broadcast %jit3A_110 : f32 to vector<128x2048xf32>
    %select_n3A_112 = arith.select %eq3A_109, %broadcast_in_dim3A_111, %select_n3A_96 : vector<128x2048xi1>, vector<128x2048xf32>
    %reduce_max3A_113 = arith.constant dense<0xFF800000> : vector<128xf32>
    %reduce_max3A_114 = vector.multi_reduction <maximumf>, %select_n3A_112, %reduce_max3A_113 [1] : vector<128x2048xf32> to vector<128xf32>
    %broadcast_in_dim3A_115 = vector.shape_cast %reduce_max3A_114 : vector<128xf32> to vector<128x1xf32>
    %ge3A_116 = vector.broadcast %broadcast_in_dim3A_115 : vector<128x1xf32> to vector<128x2048xf32>
    %ge3A_117 = arith.cmpf oge, %select_n3A_112, %ge3A_116 : vector<128x2048xf32>
    %jit3A_118 = arith.constant 2147483647 : i32
    %broadcast_in_dim3A_119 = vector.broadcast %jit3A_118 : i32 to vector<128x2048xi32>
    %select_n3A_120 = arith.select %ge3A_117, %add3A_36, %broadcast_in_dim3A_119 : vector<128x2048xi1>, vector<128x2048xi32>
    %reduce_min3A_121 = arith.constant dense<2147483647> : vector<128xi32>
    %reduce_min3A_122 = vector.multi_reduction <minsi>, %select_n3A_120, %reduce_min3A_121 [1] : vector<128x2048xi32> to vector<128xi32>
    %broadcast_in_dim3A_123 = vector.shape_cast %reduce_min3A_122 : vector<128xi32> to vector<128x1xi32>
    %eq3A_124 = vector.broadcast %broadcast_in_dim3A_123 : vector<128x1xi32> to vector<128x2048xi32>
    %eq3A_125 = arith.cmpi eq, %add3A_36, %eq3A_124 : vector<128x2048xi32>
    %jit3A_126 = arith.constant -3.000000e+38 : f32
    %broadcast_in_dim3A_127 = vector.broadcast %jit3A_126 : f32 to vector<128x2048xf32>
    %select_n3A_128 = arith.select %eq3A_125, %broadcast_in_dim3A_127, %select_n3A_112 : vector<128x2048xi1>, vector<128x2048xf32>
    %reduce_max3A_129 = arith.constant dense<0xFF800000> : vector<128xf32>
    %reduce_max3A_130 = vector.multi_reduction <maximumf>, %select_n3A_128, %reduce_max3A_129 [1] : vector<128x2048xf32> to vector<128xf32>
    %broadcast_in_dim3A_131 = vector.shape_cast %reduce_max3A_130 : vector<128xf32> to vector<128x1xf32>
    %ge3A_132 = vector.broadcast %broadcast_in_dim3A_131 : vector<128x1xf32> to vector<128x2048xf32>
    %ge3A_133 = arith.cmpf oge, %select_n3A_128, %ge3A_132 : vector<128x2048xf32>
    %jit3A_134 = arith.constant 2147483647 : i32
    %broadcast_in_dim3A_135 = vector.broadcast %jit3A_134 : i32 to vector<128x2048xi32>
    %select_n3A_136 = arith.select %ge3A_133, %add3A_36, %broadcast_in_dim3A_135 : vector<128x2048xi1>, vector<128x2048xi32>
    %reduce_min3A_137 = arith.constant dense<2147483647> : vector<128xi32>
    %reduce_min3A_138 = vector.multi_reduction <minsi>, %select_n3A_136, %reduce_min3A_137 [1] : vector<128x2048xi32> to vector<128xi32>
    %broadcast_in_dim3A_139 = vector.shape_cast %reduce_min3A_138 : vector<128xi32> to vector<128x1xi32>
    %eq3A_140 = vector.broadcast %broadcast_in_dim3A_139 : vector<128x1xi32> to vector<128x2048xi32>
    %eq3A_141 = arith.cmpi eq, %add3A_36, %eq3A_140 : vector<128x2048xi32>
    %jit3A_142 = arith.constant -3.000000e+38 : f32
    %broadcast_in_dim3A_143 = vector.broadcast %jit3A_142 : f32 to vector<128x2048xf32>
    %select_n3A_144 = arith.select %eq3A_141, %broadcast_in_dim3A_143, %select_n3A_128 : vector<128x2048xi1>, vector<128x2048xf32>
    %reduce_max3A_145 = arith.constant dense<0xFF800000> : vector<128xf32>
    %reduce_max3A_146 = vector.multi_reduction <maximumf>, %select_n3A_144, %reduce_max3A_145 [1] : vector<128x2048xf32> to vector<128xf32>
    %broadcast_in_dim3A_147 = vector.shape_cast %reduce_max3A_146 : vector<128xf32> to vector<128x1xf32>
    %ge3A_148 = vector.broadcast %broadcast_in_dim3A_147 : vector<128x1xf32> to vector<128x2048xf32>
    %ge3A_149 = arith.cmpf oge, %select_n3A_144, %ge3A_148 : vector<128x2048xf32>
    %jit3A_150 = arith.constant 2147483647 : i32
    %broadcast_in_dim3A_151 = vector.broadcast %jit3A_150 : i32 to vector<128x2048xi32>
    %select_n3A_152 = arith.select %ge3A_149, %add3A_36, %broadcast_in_dim3A_151 : vector<128x2048xi1>, vector<128x2048xi32>
    %reduce_min3A_153 = arith.constant dense<2147483647> : vector<128xi32>
    %reduce_min3A_154 = vector.multi_reduction <minsi>, %select_n3A_152, %reduce_min3A_153 [1] : vector<128x2048xi32> to vector<128xi32>
    %broadcast_in_dim3A_155 = vector.shape_cast %reduce_min3A_154 : vector<128xi32> to vector<128x1xi32>
    %concatenate3A = tpu.concatenate %broadcast_in_dim3A_39, %broadcast_in_dim3A_51, %broadcast_in_dim3A_67, %broadcast_in_dim3A_83, %broadcast_in_dim3A_99, %broadcast_in_dim3A_115, %broadcast_in_dim3A_131, %broadcast_in_dim3A_147 in 1 : vector<128x1xf32>, vector<128x1xf32>, vector<128x1xf32>, vector<128x1xf32>, vector<128x1xf32>, vector<128x1xf32>, vector<128x1xf32>, vector<128x1xf32> -> vector<128x8xf32>
    %concatenate3A_156 = tpu.concatenate %broadcast_in_dim3A_43, %broadcast_in_dim3A_59, %broadcast_in_dim3A_75, %broadcast_in_dim3A_91, %broadcast_in_dim3A_107, %broadcast_in_dim3A_123, %broadcast_in_dim3A_139, %broadcast_in_dim3A_155 in 1 : vector<128x1xi32>, vector<128x1xi32>, vector<128x1xi32>, vector<128x1xi32>, vector<128x1xi32>, vector<128x1xi32>, vector<128x1xi32>, vector<128x1xi32> -> vector<128x8xi32>
    %get3A_157 = arith.constant 0 : index
    %get3A_158 = arith.constant 0 : index
    %get3A_159 = vector.load %arg11[%get3A_157, %get3A_158] : memref<128x8xf32, #tpu.memory_space<vmem>>, vector<128x8xf32>
    %concatenate3A_160 = tpu.concatenate %concatenate3A, %get3A_159 in 1 : vector<128x8xf32>, vector<128x8xf32> -> vector<128x16xf32>
    %get3A_161 = arith.constant 0 : index
    %get3A_162 = arith.constant 0 : index
    %get3A_163 = vector.load %arg12[%get3A_161, %get3A_162] : memref<128x8xi32, #tpu.memory_space<vmem>>, vector<128x8xi32>
    %concatenate3A_164 = tpu.concatenate %concatenate3A_156, %get3A_163 in 1 : vector<128x8xi32>, vector<128x8xi32> -> vector<128x16xi32>
    %reduce_max3A_165 = arith.constant dense<0xFF800000> : vector<128xf32>
    %reduce_max3A_166 = vector.multi_reduction <maximumf>, %concatenate3A_160, %reduce_max3A_165 [1] : vector<128x16xf32> to vector<128xf32>
    %broadcast_in_dim3A_167 = vector.shape_cast %reduce_max3A_166 : vector<128xf32> to vector<128x1xf32>
    %ge3A_168 = vector.broadcast %broadcast_in_dim3A_167 : vector<128x1xf32> to vector<128x16xf32>
    %ge3A_169 = arith.cmpf oge, %concatenate3A_160, %ge3A_168 : vector<128x16xf32>
    %jit3A_170 = arith.constant 2147483647 : i32
    %broadcast_in_dim3A_171 = vector.broadcast %jit3A_170 : i32 to vector<128x16xi32>
    %select_n3A_172 = arith.select %ge3A_169, %concatenate3A_164, %broadcast_in_dim3A_171 : vector<128x16xi1>, vector<128x16xi32>
    %reduce_min3A_173 = arith.constant dense<2147483647> : vector<128xi32>
    %reduce_min3A_174 = vector.multi_reduction <minsi>, %select_n3A_172, %reduce_min3A_173 [1] : vector<128x16xi32> to vector<128xi32>
    %broadcast_in_dim3A_175 = vector.shape_cast %reduce_min3A_174 : vector<128xi32> to vector<128x1xi32>
    %eq3A_176 = vector.broadcast %broadcast_in_dim3A_175 : vector<128x1xi32> to vector<128x16xi32>
    %eq3A_177 = arith.cmpi eq, %concatenate3A_164, %eq3A_176 : vector<128x16xi32>
    %jit3A_178 = arith.constant -3.000000e+38 : f32
    %broadcast_in_dim3A_179 = vector.broadcast %jit3A_178 : f32 to vector<128x16xf32>
    %select_n3A_180 = arith.select %eq3A_177, %broadcast_in_dim3A_179, %concatenate3A_160 : vector<128x16xi1>, vector<128x16xf32>
    %reduce_max3A_181 = arith.constant dense<0xFF800000> : vector<128xf32>
    %reduce_max3A_182 = vector.multi_reduction <maximumf>, %select_n3A_180, %reduce_max3A_181 [1] : vector<128x16xf32> to vector<128xf32>
    %broadcast_in_dim3A_183 = vector.shape_cast %reduce_max3A_182 : vector<128xf32> to vector<128x1xf32>
    %ge3A_184 = vector.broadcast %broadcast_in_dim3A_183 : vector<128x1xf32> to vector<128x16xf32>
    %ge3A_185 = arith.cmpf oge, %select_n3A_180, %ge3A_184 : vector<128x16xf32>
    %jit3A_186 = arith.constant 2147483647 : i32
    %broadcast_in_dim3A_187 = vector.broadcast %jit3A_186 : i32 to vector<128x16xi32>
    %select_n3A_188 = arith.select %ge3A_185, %concatenate3A_164, %broadcast_in_dim3A_187 : vector<128x16xi1>, vector<128x16xi32>
    %reduce_min3A_189 = arith.constant dense<2147483647> : vector<128xi32>
    %reduce_min3A_190 = vector.multi_reduction <minsi>, %select_n3A_188, %reduce_min3A_189 [1] : vector<128x16xi32> to vector<128xi32>
    %broadcast_in_dim3A_191 = vector.shape_cast %reduce_min3A_190 : vector<128xi32> to vector<128x1xi32>
    %eq3A_192 = vector.broadcast %broadcast_in_dim3A_191 : vector<128x1xi32> to vector<128x16xi32>
    %eq3A_193 = arith.cmpi eq, %concatenate3A_164, %eq3A_192 : vector<128x16xi32>
    %jit3A_194 = arith.constant -3.000000e+38 : f32
    %broadcast_in_dim3A_195 = vector.broadcast %jit3A_194 : f32 to vector<128x16xf32>
    %select_n3A_196 = arith.select %eq3A_193, %broadcast_in_dim3A_195, %select_n3A_180 : vector<128x16xi1>, vector<128x16xf32>
    %reduce_max3A_197 = arith.constant dense<0xFF800000> : vector<128xf32>
    %reduce_max3A_198 = vector.multi_reduction <maximumf>, %select_n3A_196, %reduce_max3A_197 [1] : vector<128x16xf32> to vector<128xf32>
    %broadcast_in_dim3A_199 = vector.shape_cast %reduce_max3A_198 : vector<128xf32> to vector<128x1xf32>
    %ge3A_200 = vector.broadcast %broadcast_in_dim3A_199 : vector<128x1xf32> to vector<128x16xf32>
    %ge3A_201 = arith.cmpf oge, %select_n3A_196, %ge3A_200 : vector<128x16xf32>
    %jit3A_202 = arith.constant 2147483647 : i32
    %broadcast_in_dim3A_203 = vector.broadcast %jit3A_202 : i32 to vector<128x16xi32>
    %select_n3A_204 = arith.select %ge3A_201, %concatenate3A_164, %broadcast_in_dim3A_203 : vector<128x16xi1>, vector<128x16xi32>
    %reduce_min3A_205 = arith.constant dense<2147483647> : vector<128xi32>
    %reduce_min3A_206 = vector.multi_reduction <minsi>, %select_n3A_204, %reduce_min3A_205 [1] : vector<128x16xi32> to vector<128xi32>
    %broadcast_in_dim3A_207 = vector.shape_cast %reduce_min3A_206 : vector<128xi32> to vector<128x1xi32>
    %eq3A_208 = vector.broadcast %broadcast_in_dim3A_207 : vector<128x1xi32> to vector<128x16xi32>
    %eq3A_209 = arith.cmpi eq, %concatenate3A_164, %eq3A_208 : vector<128x16xi32>
    %jit3A_210 = arith.constant -3.000000e+38 : f32
    %broadcast_in_dim3A_211 = vector.broadcast %jit3A_210 : f32 to vector<128x16xf32>
    %select_n3A_212 = arith.select %eq3A_209, %broadcast_in_dim3A_211, %select_n3A_196 : vector<128x16xi1>, vector<128x16xf32>
    %reduce_max3A_213 = arith.constant dense<0xFF800000> : vector<128xf32>
    %reduce_max3A_214 = vector.multi_reduction <maximumf>, %select_n3A_212, %reduce_max3A_213 [1] : vector<128x16xf32> to vector<128xf32>
    %broadcast_in_dim3A_215 = vector.shape_cast %reduce_max3A_214 : vector<128xf32> to vector<128x1xf32>
    %ge3A_216 = vector.broadcast %broadcast_in_dim3A_215 : vector<128x1xf32> to vector<128x16xf32>
    %ge3A_217 = arith.cmpf oge, %select_n3A_212, %ge3A_216 : vector<128x16xf32>
    %jit3A_218 = arith.constant 2147483647 : i32
    %broadcast_in_dim3A_219 = vector.broadcast %jit3A_218 : i32 to vector<128x16xi32>
    %select_n3A_220 = arith.select %ge3A_217, %concatenate3A_164, %broadcast_in_dim3A_219 : vector<128x16xi1>, vector<128x16xi32>
    %reduce_min3A_221 = arith.constant dense<2147483647> : vector<128xi32>
    %reduce_min3A_222 = vector.multi_reduction <minsi>, %select_n3A_220, %reduce_min3A_221 [1] : vector<128x16xi32> to vector<128xi32>
    %broadcast_in_dim3A_223 = vector.shape_cast %reduce_min3A_222 : vector<128xi32> to vector<128x1xi32>
    %eq3A_224 = vector.broadcast %broadcast_in_dim3A_223 : vector<128x1xi32> to vector<128x16xi32>
    %eq3A_225 = arith.cmpi eq, %concatenate3A_164, %eq3A_224 : vector<128x16xi32>
    %jit3A_226 = arith.constant -3.000000e+38 : f32
    %broadcast_in_dim3A_227 = vector.broadcast %jit3A_226 : f32 to vector<128x16xf32>
    %select_n3A_228 = arith.select %eq3A_225, %broadcast_in_dim3A_227, %select_n3A_212 : vector<128x16xi1>, vector<128x16xf32>
    %reduce_max3A_229 = arith.constant dense<0xFF800000> : vector<128xf32>
    %reduce_max3A_230 = vector.multi_reduction <maximumf>, %select_n3A_228, %reduce_max3A_229 [1] : vector<128x16xf32> to vector<128xf32>
    %broadcast_in_dim3A_231 = vector.shape_cast %reduce_max3A_230 : vector<128xf32> to vector<128x1xf32>
    %ge3A_232 = vector.broadcast %broadcast_in_dim3A_231 : vector<128x1xf32> to vector<128x16xf32>
    %ge3A_233 = arith.cmpf oge, %select_n3A_228, %ge3A_232 : vector<128x16xf32>
    %jit3A_234 = arith.constant 2147483647 : i32
    %broadcast_in_dim3A_235 = vector.broadcast %jit3A_234 : i32 to vector<128x16xi32>
    %select_n3A_236 = arith.select %ge3A_233, %concatenate3A_164, %broadcast_in_dim3A_235 : vector<128x16xi1>, vector<128x16xi32>
    %reduce_min3A_237 = arith.constant dense<2147483647> : vector<128xi32>
    %reduce_min3A_238 = vector.multi_reduction <minsi>, %select_n3A_236, %reduce_min3A_237 [1] : vector<128x16xi32> to vector<128xi32>
    %broadcast_in_dim3A_239 = vector.shape_cast %reduce_min3A_238 : vector<128xi32> to vector<128x1xi32>
    %eq3A_240 = vector.broadcast %broadcast_in_dim3A_239 : vector<128x1xi32> to vector<128x16xi32>
    %eq3A_241 = arith.cmpi eq, %concatenate3A_164, %eq3A_240 : vector<128x16xi32>
    %jit3A_242 = arith.constant -3.000000e+38 : f32
    %broadcast_in_dim3A_243 = vector.broadcast %jit3A_242 : f32 to vector<128x16xf32>
    %select_n3A_244 = arith.select %eq3A_241, %broadcast_in_dim3A_243, %select_n3A_228 : vector<128x16xi1>, vector<128x16xf32>
    %reduce_max3A_245 = arith.constant dense<0xFF800000> : vector<128xf32>
    %reduce_max3A_246 = vector.multi_reduction <maximumf>, %select_n3A_244, %reduce_max3A_245 [1] : vector<128x16xf32> to vector<128xf32>
    %broadcast_in_dim3A_247 = vector.shape_cast %reduce_max3A_246 : vector<128xf32> to vector<128x1xf32>
    %ge3A_248 = vector.broadcast %broadcast_in_dim3A_247 : vector<128x1xf32> to vector<128x16xf32>
    %ge3A_249 = arith.cmpf oge, %select_n3A_244, %ge3A_248 : vector<128x16xf32>
    %jit3A_250 = arith.constant 2147483647 : i32
    %broadcast_in_dim3A_251 = vector.broadcast %jit3A_250 : i32 to vector<128x16xi32>
    %select_n3A_252 = arith.select %ge3A_249, %concatenate3A_164, %broadcast_in_dim3A_251 : vector<128x16xi1>, vector<128x16xi32>
    %reduce_min3A_253 = arith.constant dense<2147483647> : vector<128xi32>
    %reduce_min3A_254 = vector.multi_reduction <minsi>, %select_n3A_252, %reduce_min3A_253 [1] : vector<128x16xi32> to vector<128xi32>
    %broadcast_in_dim3A_255 = vector.shape_cast %reduce_min3A_254 : vector<128xi32> to vector<128x1xi32>
    %eq3A_256 = vector.broadcast %broadcast_in_dim3A_255 : vector<128x1xi32> to vector<128x16xi32>
    %eq3A_257 = arith.cmpi eq, %concatenate3A_164, %eq3A_256 : vector<128x16xi32>
    %jit3A_258 = arith.constant -3.000000e+38 : f32
    %broadcast_in_dim3A_259 = vector.broadcast %jit3A_258 : f32 to vector<128x16xf32>
    %select_n3A_260 = arith.select %eq3A_257, %broadcast_in_dim3A_259, %select_n3A_244 : vector<128x16xi1>, vector<128x16xf32>
    %reduce_max3A_261 = arith.constant dense<0xFF800000> : vector<128xf32>
    %reduce_max3A_262 = vector.multi_reduction <maximumf>, %select_n3A_260, %reduce_max3A_261 [1] : vector<128x16xf32> to vector<128xf32>
    %broadcast_in_dim3A_263 = vector.shape_cast %reduce_max3A_262 : vector<128xf32> to vector<128x1xf32>
    %ge3A_264 = vector.broadcast %broadcast_in_dim3A_263 : vector<128x1xf32> to vector<128x16xf32>
    %ge3A_265 = arith.cmpf oge, %select_n3A_260, %ge3A_264 : vector<128x16xf32>
    %jit3A_266 = arith.constant 2147483647 : i32
    %broadcast_in_dim3A_267 = vector.broadcast %jit3A_266 : i32 to vector<128x16xi32>
    %select_n3A_268 = arith.select %ge3A_265, %concatenate3A_164, %broadcast_in_dim3A_267 : vector<128x16xi1>, vector<128x16xi32>
    %reduce_min3A_269 = arith.constant dense<2147483647> : vector<128xi32>
    %reduce_min3A_270 = vector.multi_reduction <minsi>, %select_n3A_268, %reduce_min3A_269 [1] : vector<128x16xi32> to vector<128xi32>
    %broadcast_in_dim3A_271 = vector.shape_cast %reduce_min3A_270 : vector<128xi32> to vector<128x1xi32>
    %eq3A_272 = vector.broadcast %broadcast_in_dim3A_271 : vector<128x1xi32> to vector<128x16xi32>
    %eq3A_273 = arith.cmpi eq, %concatenate3A_164, %eq3A_272 : vector<128x16xi32>
    %jit3A_274 = arith.constant -3.000000e+38 : f32
    %broadcast_in_dim3A_275 = vector.broadcast %jit3A_274 : f32 to vector<128x16xf32>
    %select_n3A_276 = arith.select %eq3A_273, %broadcast_in_dim3A_275, %select_n3A_260 : vector<128x16xi1>, vector<128x16xf32>
    %reduce_max3A_277 = arith.constant dense<0xFF800000> : vector<128xf32>
    %reduce_max3A_278 = vector.multi_reduction <maximumf>, %select_n3A_276, %reduce_max3A_277 [1] : vector<128x16xf32> to vector<128xf32>
    %broadcast_in_dim3A_279 = vector.shape_cast %reduce_max3A_278 : vector<128xf32> to vector<128x1xf32>
    %ge3A_280 = vector.broadcast %broadcast_in_dim3A_279 : vector<128x1xf32> to vector<128x16xf32>
    %ge3A_281 = arith.cmpf oge, %select_n3A_276, %ge3A_280 : vector<128x16xf32>
    %jit3A_282 = arith.constant 2147483647 : i32
    %broadcast_in_dim3A_283 = vector.broadcast %jit3A_282 : i32 to vector<128x16xi32>
    %select_n3A_284 = arith.select %ge3A_281, %concatenate3A_164, %broadcast_in_dim3A_283 : vector<128x16xi1>, vector<128x16xi32>
    %reduce_min3A_285 = arith.constant dense<2147483647> : vector<128xi32>
    %reduce_min3A_286 = vector.multi_reduction <minsi>, %select_n3A_284, %reduce_min3A_285 [1] : vector<128x16xi32> to vector<128xi32>
    %broadcast_in_dim3A_287 = vector.shape_cast %reduce_min3A_286 : vector<128xi32> to vector<128x1xi32>
    %concatenate3A_288 = tpu.concatenate %broadcast_in_dim3A_167, %broadcast_in_dim3A_183, %broadcast_in_dim3A_199, %broadcast_in_dim3A_215, %broadcast_in_dim3A_231, %broadcast_in_dim3A_247, %broadcast_in_dim3A_263, %broadcast_in_dim3A_279 in 1 : vector<128x1xf32>, vector<128x1xf32>, vector<128x1xf32>, vector<128x1xf32>, vector<128x1xf32>, vector<128x1xf32>, vector<128x1xf32>, vector<128x1xf32> -> vector<128x8xf32>
    %concatenate3A_289 = tpu.concatenate %broadcast_in_dim3A_175, %broadcast_in_dim3A_191, %broadcast_in_dim3A_207, %broadcast_in_dim3A_223, %broadcast_in_dim3A_239, %broadcast_in_dim3A_255, %broadcast_in_dim3A_271, %broadcast_in_dim3A_287 in 1 : vector<128x1xi32>, vector<128x1xi32>, vector<128x1xi32>, vector<128x1xi32>, vector<128x1xi32>, vector<128x1xi32>, vector<128x1xi32>, vector<128x1xi32> -> vector<128x8xi32>
    %swap3A_290 = arith.constant 0 : index
    %swap3A_291 = arith.constant 0 : index
    %swap3A_292 = vector.load %arg11[%swap3A_290, %swap3A_291] : memref<128x8xf32, #tpu.memory_space<vmem>>, vector<128x8xf32>
    tpu.vector_store %arg11[%swap3A_290, %swap3A_291], %concatenate3A_288 {strides = array<i32>} : memref<128x8xf32, #tpu.memory_space<vmem>>, vector<128x8xf32>,
    %swap3A_293 = arith.constant 0 : index
    %swap3A_294 = arith.constant 0 : index
    %swap3A_295 = vector.load %arg12[%swap3A_293, %swap3A_294] : memref<128x8xi32, #tpu.memory_space<vmem>>, vector<128x8xi32>
    tpu.vector_store %arg12[%swap3A_293, %swap3A_294], %concatenate3A_289 {strides = array<i32>} : memref<128x8xi32, #tpu.memory_space<vmem>>, vector<128x8xi32>,
    %eq3A_296 = arith.constant 49 : i32
    %eq3A_297 = arith.cmpi eq, %arg0, %eq3A_296 : i32
    %convert_element_type3A_298 = arith.extui %eq3A_297 : i1 to i32
    %cond3A_299 = arith.constant 0 : i32
    %cond3A_300 = arith.cmpi ne, %convert_element_type3A_298, %cond3A_299 : i32
    scf.if %cond3A_300 {
      %get3A_301 = arith.constant 0 : index
      %get3A_302 = arith.constant 0 : index
      %get3A_303 = vector.load %arg14[%get3A_301, %get3A_302] : memref<128x1xf32, #tpu.memory_space<vmem>>, vector<128x1xf32>
      %get3A_304 = arith.constant 0 : index
      %get3A_305 = arith.constant 0 : index
      %get3A_306 = vector.load %arg15[%get3A_304, %get3A_305] : memref<128x1xf32, #tpu.memory_space<vmem>>, vector<128x1xf32>
      %log3A = math.log %get3A_306 : vector<128x1xf32>
      %add3A_307 = arith.addf %get3A_303, %log3A : vector<128x1xf32>
      %broadcast_in_dim3A_308 = vector.shape_cast %add3A_307 : vector<128x1xf32> to vector<128x1xf32>
      %broadcast_in_dim3A_309 = vector.broadcast %broadcast_in_dim3A_308 : vector<128x1xf32> to vector<128x8xf32>
      %swap3A_310 = arith.constant 0 : index
      %swap3A_311 = arith.constant 0 : index
      %swap3A_312 = vector.load %arg13[%swap3A_310, %swap3A_311] : memref<128x8xf32, #tpu.memory_space<vmem>>, vector<128x8xf32>
      tpu.vector_store %arg13[%swap3A_310, %swap3A_311], %broadcast_in_dim3A_309 {strides = array<i32>} : memref<128x8xf32, #tpu.memory_space<vmem>>, vector<128x8xf32>,
    } else {
    }
    return
  }
  func.func @transform_0(%arg0: i32) -> (i32, i32) {
    %c0_i32 = arith.constant 0 : i32
    %c0_i32_0 = arith.constant 0 : i32
    %c0_i32_1 = arith.constant 0 : i32
    return %c0_i32, %c0_i32_0 : i32, i32
  }
  func.func @transform_1(%arg0: i32) -> (i32, i32) {
    %c0_i32 = arith.constant 0 : i32
    %c0_i32_0 = arith.constant 0 : i32
    %c0_i32_1 = arith.constant 0 : i32
    return %c0_i32, %c0_i32_0 : i32, i32
  }
  func.func @transform_2(%arg0: i32) -> (i32, i32) {
    %c0_i32 = arith.constant 0 : i32
    %c0_i32_0 = arith.constant 0 : i32
    %c0_i32_1 = arith.constant 0 : i32
    return %c0_i32, %c0_i32_0 : i32, i32
  }
  func.func @transform_3(%arg0: i32) -> (i32, i32) {
    %c0_i32 = arith.constant 0 : i32
    %c0_i32_0 = arith.constant 0 : i32
    %c0_i32_1 = arith.constant 0 : i32
    return %c0_i32, %c0_i32_0 : i32, i32
  }
  func.func @transform_4(%arg0: i32) -> (i32, i32) {
    %c0_i32 = arith.constant 0 : i32
    %c0_i32_0 = arith.constant 0 : i32
    %c0_i32_1 = arith.constant 0 : i32
    return %c0_i32, %c0_i32_0 : i32, i32
  }
  func.func @transform_5(%arg0: i32) -> (i32, i32) {
    %c0_i32 = arith.constant 0 : i32
    %c0_i32_0 = arith.constant 0 : i32
    %c0_i32_1 = arith.constant 0 : i32
    return %c0_i32, %c0_i32_0 : i32, i32
  }
  func.func @transform_6(%arg0: i32) -> (i32, i32) {
    %c0_i32 = arith.constant 0 : i32
    %c0_i32_0 = arith.constant 0 : i32
    return %c0_i32, %arg0 : i32, i32
  }
  func.func @transform_7(%arg0: i32) -> (i32, i32) {
    %c0_i32 = arith.constant 0 : i32
    %c0_i32_0 = arith.constant 0 : i32
    return %c0_i32, %arg0 : i32, i32
  }
  func.func @transform_8(%arg0: i32) -> (i32, i32) {
    %c0_i32 = arith.constant 0 : i32
    %c0_i32_0 = arith.constant 0 : i32
    return %c0_i32, %arg0 : i32, i32
  }
  func.func @transform_9(%arg0: i32) -> (i32, i32) {
    %c0_i32 = arith.constant 0 : i32
    %c0_i32_0 = arith.constant 0 : i32
    %c0_i32_1 = arith.constant 0 : i32
    return %c0_i32, %c0_i32_0 : i32, i32
  }
  func.func @transform_10(%arg0: i32) -> (i32, i32) {
    %c0_i32 = arith.constant 0 : i32
    %c0_i32_0 = arith.constant 0 : i32
    %c0_i32_1 = arith.constant 0 : i32
    return %c0_i32, %c0_i32_0 : i32, i32
  }
  func.func @transform_11(%arg0: i32) -> (i32, i32) {
    %c0_i32 = arith.constant 0 : i32
    %c0_i32_0 = arith.constant 0 : i32
    %c0_i32_1 = arith.constant 0 : i32
    return %c0_i32, %c0_i32_0 : i32, i32
  }
  func.func @transform_12(%arg0: i32) -> (i32, i32) {
    %c0_i32 = arith.constant 0 : i32
    %c0_i32_0 = arith.constant 0 : i32
    %c0_i32_1 = arith.constant 0 : i32
    return %c0_i32, %c0_i32_0 : i32, i32
  }
}

module attributes {stable_mosaic.version = 14 : i64} {
  func.func @_step_kernel(%arg0: i32, %arg1: memref<128x128xf32, #tpu.memory_space<vmem>>, %arg2: memref<128x128xf32, #tpu.memory_space<vmem>>, %arg3: memref<128x384xf32, #tpu.memory_space<vmem>>, %arg4: memref<128x384xf32, #tpu.memory_space<vmem>>, %arg5: memref<1x384xf32, #tpu.memory_space<vmem>>, %arg6: memref<1x384xf32, #tpu.memory_space<vmem>>, %arg7: memref<128x2048xf32, #tpu.memory_space<vmem>>, %arg8: memref<1x2048xf32, #tpu.memory_space<vmem>>, %arg9: memref<128x2048xf32, #tpu.memory_space<vmem>>, %arg10: memref<128x128xf32, #tpu.memory_space<vmem>>, %arg11: memref<128x8xf32, #tpu.memory_space<vmem>>, %arg12: memref<128x8xi32, #tpu.memory_space<vmem>>, %arg13: memref<128x8xf32, #tpu.memory_space<vmem>>, %arg14: memref<128x1xf32, #tpu.memory_space<vmem>>, %arg15: memref<128x1xf32, #tpu.memory_space<vmem>>) attributes {dimension_semantics = [#tpu.dimension_semantics<arbitrary>], iteration_bounds = array<i64: 50>, scalar_prefetch = 0 : i64, scratch_operands = 2 : i64, tpu.core_type = #tpu.core_type<tc>, window_params = [{pipeline_mode = #tpu.pipeline_mode<synchronous>, transform_indices = @transform_0, window_bounds = array<i64: 128, 128>}, {pipeline_mode = #tpu.pipeline_mode<synchronous>, transform_indices = @transform_1, window_bounds = array<i64: 128, 128>}, {pipeline_mode = #tpu.pipeline_mode<synchronous>, transform_indices = @transform_2, window_bounds = array<i64: 128, 384>}, {pipeline_mode = #tpu.pipeline_mode<synchronous>, transform_indices = @transform_3, window_bounds = array<i64: 128, 384>}, {pipeline_mode = #tpu.pipeline_mode<synchronous>, transform_indices = @transform_4, window_bounds = array<i64: 1, 384>}, {pipeline_mode = #tpu.pipeline_mode<synchronous>, transform_indices = @transform_5, window_bounds = array<i64: 1, 384>}, {transform_indices = @transform_6, window_bounds = array<i64: 128, 2048>}, {transform_indices = @transform_7, window_bounds = array<i64: 1, 2048>}, {transform_indices = @transform_8, window_bounds = array<i64: 128, 2048>}, {pipeline_mode = #tpu.pipeline_mode<synchronous>, transform_indices = @transform_9, window_bounds = array<i64: 128, 128>}, {pipeline_mode = #tpu.pipeline_mode<synchronous>, transform_indices = @transform_10, window_bounds = array<i64: 128, 8>}, {pipeline_mode = #tpu.pipeline_mode<synchronous>, transform_indices = @transform_11, window_bounds = array<i64: 128, 8>}, {pipeline_mode = #tpu.pipeline_mode<synchronous>, transform_indices = @transform_12, window_bounds = array<i64: 128, 8>}]} {
    %eq3A = arith.constant 0 : i32
    %eq3A_0 = arith.cmpi eq, %arg0, %eq3A : i32
    %convert_element_type3A = arith.extui %eq3A_0 : i1 to i32
    %cond3A = arith.constant 0 : i32
    %cond3A_1 = arith.cmpi ne, %convert_element_type3A, %cond3A : i32
    scf.if %cond3A_1 {
      %get3A_301 = arith.constant 0 : index
      %get3A_302 = arith.constant 0 : index
      %get3A_303 = vector.load %arg1[%get3A_301, %get3A_302] : memref<128x128xf32, #tpu.memory_space<vmem>>, vector<128x128xf32>
      %get3A_304 = arith.constant 0 : index
      %get3A_305 = arith.constant 0 : index
      %get3A_306 = vector.load %arg2[%get3A_304, %get3A_305] : memref<128x128xf32, #tpu.memory_space<vmem>>, vector<128x128xf32>
      %get3A_307 = arith.constant 0 : index
      %get3A_308 = arith.constant 0 : index
      %get3A_309 = vector.load %arg3[%get3A_307, %get3A_308] : memref<128x384xf32, #tpu.memory_space<vmem>>, vector<128x384xf32>
      %dot_general3A_310 = arith.constant dense<0.000000e+00> : vector<128x384xf32>
      %dot_general3A_311 = tpu.matmul %get3A_303, %get3A_309, %dot_general3A_310 {dimension_numbers = #tpu.dot_dimension_numbers<[1], [0], [0], [1], [0, 0, 1, 1], [], []>, transpose_lhs_hint = false} : vector<128x128xf32>, vector<128x384xf32>, vector<128x384xf32> -> vector<128x384xf32>
      %get3A_312 = arith.constant 0 : index
      %get3A_313 = arith.constant 0 : index
      %get3A_314 = vector.load %arg5[%get3A_312, %get3A_313] : memref<1x384xf32, #tpu.memory_space<vmem>>, vector<1x384xf32>
      %add3A_315 = vector.broadcast %get3A_314 : vector<1x384xf32> to vector<128x384xf32>
      %add3A_316 = arith.addf %dot_general3A_311, %add3A_315 : vector<128x384xf32>
      %get3A_317 = arith.constant 0 : index
      %get3A_318 = arith.constant 0 : index
      %get3A_319 = vector.load %arg4[%get3A_317, %get3A_318] : memref<128x384xf32, #tpu.memory_space<vmem>>, vector<128x384xf32>
      %dot_general3A_320 = arith.constant dense<0.000000e+00> : vector<128x384xf32>
      %dot_general3A_321 = tpu.matmul %get3A_306, %get3A_319, %dot_general3A_320 {dimension_numbers = #tpu.dot_dimension_numbers<[1], [0], [0], [1], [0, 0, 1, 1], [], []>, transpose_lhs_hint = false} : vector<128x128xf32>, vector<128x384xf32>, vector<128x384xf32> -> vector<128x384xf32>
      %get3A_322 = arith.constant 0 : index
      %get3A_323 = arith.constant 0 : index
      %get3A_324 = vector.load %arg6[%get3A_322, %get3A_323] : memref<1x384xf32, #tpu.memory_space<vmem>>, vector<1x384xf32>
      %add3A_325 = vector.broadcast %get3A_324 : vector<1x384xf32> to vector<128x384xf32>
      %add3A_326 = arith.addf %dot_general3A_321, %add3A_325 : vector<128x384xf32>
      %slice3A = vector.extract_strided_slice %add3A_316 {offsets = [0, 0], sizes = [128, 128], strides = [1, 1]} : vector<128x384xf32> to vector<128x128xf32>
      %slice3A_327 = vector.extract_strided_slice %add3A_316 {offsets = [0, 128], sizes = [128, 128], strides = [1, 1]} : vector<128x384xf32> to vector<128x128xf32>
      %slice3A_328 = vector.extract_strided_slice %add3A_316 {offsets = [0, 256], sizes = [128, 128], strides = [1, 1]} : vector<128x384xf32> to vector<128x128xf32>
      %slice3A_329 = vector.extract_strided_slice %add3A_326 {offsets = [0, 0], sizes = [128, 128], strides = [1, 1]} : vector<128x384xf32> to vector<128x128xf32>
      %slice3A_330 = vector.extract_strided_slice %add3A_326 {offsets = [0, 128], sizes = [128, 128], strides = [1, 1]} : vector<128x384xf32> to vector<128x128xf32>
      %slice3A_331 = vector.extract_strided_slice %add3A_326 {offsets = [0, 256], sizes = [128, 128], strides = [1, 1]} : vector<128x384xf32> to vector<128x128xf32>
      %add3A_332 = arith.addf %slice3A, %slice3A_329 : vector<128x128xf32>
      %logistic3A = arith.negf %add3A_332 : vector<128x128xf32>
      %logistic3A_333 = math.exp %logistic3A : vector<128x128xf32>
      %logistic3A_334 = arith.constant 1.000000e+00 : f32
      %logistic3A_335 = vector.broadcast %logistic3A_334 : f32 to vector<128x128xf32>
      %logistic3A_336 = arith.addf %logistic3A_335, %logistic3A_333 : vector<128x128xf32>
      %logistic3A_337 = arith.divf %logistic3A_335, %logistic3A_336 : vector<128x128xf32>
      %add3A_338 = arith.addf %slice3A_327, %slice3A_330 : vector<128x128xf32>
      %logistic3A_339 = arith.negf %add3A_338 : vector<128x128xf32>
      %logistic3A_340 = math.exp %logistic3A_339 : vector<128x128xf32>
      %logistic3A_341 = arith.constant 1.000000e+00 : f32
      %logistic3A_342 = vector.broadcast %logistic3A_341 : f32 to vector<128x128xf32>
      %logistic3A_343 = arith.addf %logistic3A_342, %logistic3A_340 : vector<128x128xf32>
      %logistic3A_344 = arith.divf %logistic3A_342, %logistic3A_343 : vector<128x128xf32>
      %mul3A_345 = arith.mulf %logistic3A_337, %slice3A_331 : vector<128x128xf32>
      %add3A_346 = arith.addf %slice3A_328, %mul3A_345 : vector<128x128xf32>
      %tanh3A = math.tanh %add3A_346 : vector<128x128xf32>
      %sub3A_347 = arith.constant 1.000000e+00 : f32
      %sub3A_348 = vector.broadcast %sub3A_347 : f32 to vector<128x128xf32>
      %sub3A_349 = arith.subf %sub3A_348, %logistic3A_344 : vector<128x128xf32>
      %mul3A_350 = arith.mulf %sub3A_349, %tanh3A : vector<128x128xf32>
      %mul3A_351 = arith.mulf %logistic3A_344, %get3A_306 : vector<128x128xf32>
      %add3A_352 = arith.addf %mul3A_350, %mul3A_351 : vector<128x128xf32>
      %swap3A_353 = arith.constant 0 : index
      %swap3A_354 = arith.constant 0 : index
      %swap3A_355 = vector.load %arg10[%swap3A_353, %swap3A_354] : memref<128x128xf32, #tpu.memory_space<vmem>>, vector<128x128xf32>
      tpu.vector_store %arg10[%swap3A_353, %swap3A_354], %add3A_352 {strides = array<i32>} : memref<128x128xf32, #tpu.memory_space<vmem>>, vector<128x128xf32>,
      %broadcast_in_dim3A_356 = arith.constant -3.000000e+38 : f32
      %broadcast_in_dim3A_357 = vector.broadcast %broadcast_in_dim3A_356 : f32 to vector<128x1xf32>
      %swap3A_358 = arith.constant 0 : index
      %swap3A_359 = arith.constant 0 : index
      %swap3A_360 = vector.load %arg14[%swap3A_358, %swap3A_359] : memref<128x1xf32, #tpu.memory_space<vmem>>, vector<128x1xf32>
      tpu.vector_store %arg14[%swap3A_358, %swap3A_359], %broadcast_in_dim3A_357 {strides = array<i32>} : memref<128x1xf32, #tpu.memory_space<vmem>>, vector<128x1xf32>,
      %broadcast_in_dim3A_361 = arith.constant 0.000000e+00 : f32
      %broadcast_in_dim3A_362 = vector.broadcast %broadcast_in_dim3A_361 : f32 to vector<128x1xf32>
      %swap3A_363 = arith.constant 0 : index
      %swap3A_364 = arith.constant 0 : index
      %swap3A_365 = vector.load %arg15[%swap3A_363, %swap3A_364] : memref<128x1xf32, #tpu.memory_space<vmem>>, vector<128x1xf32>
      tpu.vector_store %arg15[%swap3A_363, %swap3A_364], %broadcast_in_dim3A_362 {strides = array<i32>} : memref<128x1xf32, #tpu.memory_space<vmem>>, vector<128x1xf32>,
      %broadcast_in_dim3A_366 = arith.constant -3.000000e+38 : f32
      %broadcast_in_dim3A_367 = vector.broadcast %broadcast_in_dim3A_366 : f32 to vector<128x8xf32>
      %swap3A_368 = arith.constant 0 : index
      %swap3A_369 = arith.constant 0 : index
      %swap3A_370 = vector.load %arg11[%swap3A_368, %swap3A_369] : memref<128x8xf32, #tpu.memory_space<vmem>>, vector<128x8xf32>
      tpu.vector_store %arg11[%swap3A_368, %swap3A_369], %broadcast_in_dim3A_367 {strides = array<i32>} : memref<128x8xf32, #tpu.memory_space<vmem>>, vector<128x8xf32>,
      %broadcast_in_dim3A_371 = arith.constant 0 : i32
      %broadcast_in_dim3A_372 = vector.broadcast %broadcast_in_dim3A_371 : i32 to vector<128x8xi32>
      %swap3A_373 = arith.constant 0 : index
      %swap3A_374 = arith.constant 0 : index
      %swap3A_375 = vector.load %arg12[%swap3A_373, %swap3A_374] : memref<128x8xi32, #tpu.memory_space<vmem>>, vector<128x8xi32>
      tpu.vector_store %arg12[%swap3A_373, %swap3A_374], %broadcast_in_dim3A_372 {strides = array<i32>} : memref<128x8xi32, #tpu.memory_space<vmem>>, vector<128x8xi32>,
    } else {
    }
    %get3A = arith.constant 0 : index
    %get3A_2 = arith.constant 0 : index
    %get3A_3 = vector.load %arg10[%get3A, %get3A_2] : memref<128x128xf32, #tpu.memory_space<vmem>>, vector<128x128xf32>
    %get3A_4 = arith.constant 0 : index
    %get3A_5 = arith.constant 0 : index
    %get3A_6 = vector.load %arg7[%get3A_4, %get3A_5] : memref<128x2048xf32, #tpu.memory_space<vmem>>, vector<128x2048xf32>
    %dot_general3A = arith.constant dense<0.000000e+00> : vector<128x2048xf32>
    %dot_general3A_7 = tpu.matmul %get3A_3, %get3A_6, %dot_general3A {dimension_numbers = #tpu.dot_dimension_numbers<[1], [0], [0], [1], [0, 0, 1, 1], [], []>, transpose_lhs_hint = false} : vector<128x128xf32>, vector<128x2048xf32>, vector<128x2048xf32> -> vector<128x2048xf32>
    %get3A_8 = arith.constant 0 : index
    %get3A_9 = arith.constant 0 : index
    %get3A_10 = vector.load %arg8[%get3A_8, %get3A_9] : memref<1x2048xf32, #tpu.memory_space<vmem>>, vector<1x2048xf32>
    %add3A = vector.broadcast %get3A_10 : vector<1x2048xf32> to vector<128x2048xf32>
    %add3A_11 = arith.addf %dot_general3A_7, %add3A : vector<128x2048xf32>
    %swap3A = arith.constant 0 : index
    %swap3A_12 = arith.constant 0 : index
    %swap3A_13 = vector.load %arg9[%swap3A, %swap3A_12] : memref<128x2048xf32, #tpu.memory_space<vmem>>, vector<128x2048xf32>
    tpu.vector_store %arg9[%swap3A, %swap3A_12], %add3A_11 {strides = array<i32>} : memref<128x2048xf32, #tpu.memory_space<vmem>>, vector<128x2048xf32>,
    %reduce_max3A = arith.constant dense<0xFF800000> : vector<128xf32>
    %reduce_max3A_14 = vector.multi_reduction <maximumf>, %add3A_11, %reduce_max3A [1] : vector<128x2048xf32> to vector<128xf32>
    %broadcast_in_dim3A = vector.shape_cast %reduce_max3A_14 : vector<128xf32> to vector<128x1xf32>
    %get3A_15 = arith.constant 0 : index
    %get3A_16 = arith.constant 0 : index
    %get3A_17 = vector.load %arg14[%get3A_15, %get3A_16] : memref<128x1xf32, #tpu.memory_space<vmem>>, vector<128x1xf32>
    %max3A = arith.maximumf %get3A_17, %broadcast_in_dim3A : vector<128x1xf32>
    %get3A_18 = arith.constant 0 : index
    %get3A_19 = arith.constant 0 : index
    %get3A_20 = vector.load %arg15[%get3A_18, %get3A_19] : memref<128x1xf32, #tpu.memory_space<vmem>>, vector<128x1xf32>
    %sub3A = arith.subf %get3A_17, %max3A : vector<128x1xf32>
    %exp3A = math.exp %sub3A : vector<128x1xf32>
    %mul3A = arith.mulf %get3A_20, %exp3A : vector<128x1xf32>
    %sub3A_21 = vector.broadcast %max3A : vector<128x1xf32> to vector<128x2048xf32>
    %sub3A_22 = arith.subf %add3A_11, %sub3A_21 : vector<128x2048xf32>
    %exp3A_23 = math.exp %sub3A_22 : vector<128x2048xf32>
    %reduce_sum3A = arith.constant dense<0.000000e+00> : vector<128xf32>
    %reduce_sum3A_24 = vector.multi_reduction <add>, %exp3A_23, %reduce_sum3A [1] : vector<128x2048xf32> to vector<128xf32>
    %broadcast_in_dim3A_25 = vector.shape_cast %reduce_sum3A_24 : vector<128xf32> to vector<128x1xf32>
    %add3A_26 = arith.addf %mul3A, %broadcast_in_dim3A_25 : vector<128x1xf32>
    %swap3A_27 = arith.constant 0 : index
    %swap3A_28 = arith.constant 0 : index
    %swap3A_29 = vector.load %arg15[%swap3A_27, %swap3A_28] : memref<128x1xf32, #tpu.memory_space<vmem>>, vector<128x1xf32>
    tpu.vector_store %arg15[%swap3A_27, %swap3A_28], %add3A_26 {strides = array<i32>} : memref<128x1xf32, #tpu.memory_space<vmem>>, vector<128x1xf32>,
    %swap3A_30 = arith.constant 0 : index
    %swap3A_31 = arith.constant 0 : index
    %swap3A_32 = vector.load %arg14[%swap3A_30, %swap3A_31] : memref<128x1xf32, #tpu.memory_space<vmem>>, vector<128x1xf32>
    tpu.vector_store %arg14[%swap3A_30, %swap3A_31], %max3A {strides = array<i32>} : memref<128x1xf32, #tpu.memory_space<vmem>>, vector<128x1xf32>,
    %mul3A_33 = arith.constant 2048 : i32
    %mul3A_34 = arith.muli %arg0, %mul3A_33 : i32
    %iota3A = tpu.iota {dimensions = array<i32: 1>} : vector<128x2048xi32>
    %add3A_35 = vector.broadcast %mul3A_34 : i32 to vector<128x2048xi32>
    %add3A_36 = arith.addi %iota3A, %add3A_35 : vector<128x2048xi32>
    %reduce_max3A_37 = arith.constant dense<0xFF800000> : vector<128xf32>
    %reduce_max3A_38 = vector.multi_reduction <maximumf>, %add3A_11, %reduce_max3A_37 [1] : vector<128x2048xf32> to vector<128xf32>
    %broadcast_in_dim3A_39 = vector.shape_cast %reduce_max3A_38 : vector<128xf32> to vector<128x1xf32>
    %ge3A = vector.broadcast %broadcast_in_dim3A_39 : vector<128x1xf32> to vector<128x2048xf32>
    %ge3A_40 = arith.cmpf oge, %add3A_11, %ge3A : vector<128x2048xf32>
    %jit3A = arith.constant 2147483647 : i32
    %broadcast_in_dim3A_41 = vector.broadcast %jit3A : i32 to vector<128x2048xi32>
    %select_n3A = arith.select %ge3A_40, %add3A_36, %broadcast_in_dim3A_41 : vector<128x2048xi1>, vector<128x2048xi32>
    %reduce_min3A = arith.constant dense<2147483647> : vector<128xi32>
    %reduce_min3A_42 = vector.multi_reduction <minsi>, %select_n3A, %reduce_min3A [1] : vector<128x2048xi32> to vector<128xi32>
    %broadcast_in_dim3A_43 = vector.shape_cast %reduce_min3A_42 : vector<128xi32> to vector<128x1xi32>
    %eq3A_44 = vector.broadcast %broadcast_in_dim3A_43 : vector<128x1xi32> to vector<128x2048xi32>
    %eq3A_45 = arith.cmpi eq, %add3A_36, %eq3A_44 : vector<128x2048xi32>
    %jit3A_46 = arith.constant -3.000000e+38 : f32
    %broadcast_in_dim3A_47 = vector.broadcast %jit3A_46 : f32 to vector<128x2048xf32>
    %select_n3A_48 = arith.select %eq3A_45, %broadcast_in_dim3A_47, %add3A_11 : vector<128x2048xi1>, vector<128x2048xf32>
    %reduce_max3A_49 = arith.constant dense<0xFF800000> : vector<128xf32>
    %reduce_max3A_50 = vector.multi_reduction <maximumf>, %select_n3A_48, %reduce_max3A_49 [1] : vector<128x2048xf32> to vector<128xf32>
    %broadcast_in_dim3A_51 = vector.shape_cast %reduce_max3A_50 : vector<128xf32> to vector<128x1xf32>
    %ge3A_52 = vector.broadcast %broadcast_in_dim3A_51 : vector<128x1xf32> to vector<128x2048xf32>
    %ge3A_53 = arith.cmpf oge, %select_n3A_48, %ge3A_52 : vector<128x2048xf32>
    %jit3A_54 = arith.constant 2147483647 : i32
    %broadcast_in_dim3A_55 = vector.broadcast %jit3A_54 : i32 to vector<128x2048xi32>
    %select_n3A_56 = arith.select %ge3A_53, %add3A_36, %broadcast_in_dim3A_55 : vector<128x2048xi1>, vector<128x2048xi32>
    %reduce_min3A_57 = arith.constant dense<2147483647> : vector<128xi32>
    %reduce_min3A_58 = vector.multi_reduction <minsi>, %select_n3A_56, %reduce_min3A_57 [1] : vector<128x2048xi32> to vector<128xi32>
    %broadcast_in_dim3A_59 = vector.shape_cast %reduce_min3A_58 : vector<128xi32> to vector<128x1xi32>
    %eq3A_60 = vector.broadcast %broadcast_in_dim3A_59 : vector<128x1xi32> to vector<128x2048xi32>
    %eq3A_61 = arith.cmpi eq, %add3A_36, %eq3A_60 : vector<128x2048xi32>
    %jit3A_62 = arith.constant -3.000000e+38 : f32
    %broadcast_in_dim3A_63 = vector.broadcast %jit3A_62 : f32 to vector<128x2048xf32>
    %select_n3A_64 = arith.select %eq3A_61, %broadcast_in_dim3A_63, %select_n3A_48 : vector<128x2048xi1>, vector<128x2048xf32>
    %reduce_max3A_65 = arith.constant dense<0xFF800000> : vector<128xf32>
    %reduce_max3A_66 = vector.multi_reduction <maximumf>, %select_n3A_64, %reduce_max3A_65 [1] : vector<128x2048xf32> to vector<128xf32>
    %broadcast_in_dim3A_67 = vector.shape_cast %reduce_max3A_66 : vector<128xf32> to vector<128x1xf32>
    %ge3A_68 = vector.broadcast %broadcast_in_dim3A_67 : vector<128x1xf32> to vector<128x2048xf32>
    %ge3A_69 = arith.cmpf oge, %select_n3A_64, %ge3A_68 : vector<128x2048xf32>
    %jit3A_70 = arith.constant 2147483647 : i32
    %broadcast_in_dim3A_71 = vector.broadcast %jit3A_70 : i32 to vector<128x2048xi32>
    %select_n3A_72 = arith.select %ge3A_69, %add3A_36, %broadcast_in_dim3A_71 : vector<128x2048xi1>, vector<128x2048xi32>
    %reduce_min3A_73 = arith.constant dense<2147483647> : vector<128xi32>
    %reduce_min3A_74 = vector.multi_reduction <minsi>, %select_n3A_72, %reduce_min3A_73 [1] : vector<128x2048xi32> to vector<128xi32>
    %broadcast_in_dim3A_75 = vector.shape_cast %reduce_min3A_74 : vector<128xi32> to vector<128x1xi32>
    %eq3A_76 = vector.broadcast %broadcast_in_dim3A_75 : vector<128x1xi32> to vector<128x2048xi32>
    %eq3A_77 = arith.cmpi eq, %add3A_36, %eq3A_76 : vector<128x2048xi32>
    %jit3A_78 = arith.constant -3.000000e+38 : f32
    %broadcast_in_dim3A_79 = vector.broadcast %jit3A_78 : f32 to vector<128x2048xf32>
    %select_n3A_80 = arith.select %eq3A_77, %broadcast_in_dim3A_79, %select_n3A_64 : vector<128x2048xi1>, vector<128x2048xf32>
    %reduce_max3A_81 = arith.constant dense<0xFF800000> : vector<128xf32>
    %reduce_max3A_82 = vector.multi_reduction <maximumf>, %select_n3A_80, %reduce_max3A_81 [1] : vector<128x2048xf32> to vector<128xf32>
    %broadcast_in_dim3A_83 = vector.shape_cast %reduce_max3A_82 : vector<128xf32> to vector<128x1xf32>
    %ge3A_84 = vector.broadcast %broadcast_in_dim3A_83 : vector<128x1xf32> to vector<128x2048xf32>
    %ge3A_85 = arith.cmpf oge, %select_n3A_80, %ge3A_84 : vector<128x2048xf32>
    %jit3A_86 = arith.constant 2147483647 : i32
    %broadcast_in_dim3A_87 = vector.broadcast %jit3A_86 : i32 to vector<128x2048xi32>
    %select_n3A_88 = arith.select %ge3A_85, %add3A_36, %broadcast_in_dim3A_87 : vector<128x2048xi1>, vector<128x2048xi32>
    %reduce_min3A_89 = arith.constant dense<2147483647> : vector<128xi32>
    %reduce_min3A_90 = vector.multi_reduction <minsi>, %select_n3A_88, %reduce_min3A_89 [1] : vector<128x2048xi32> to vector<128xi32>
    %broadcast_in_dim3A_91 = vector.shape_cast %reduce_min3A_90 : vector<128xi32> to vector<128x1xi32>
    %eq3A_92 = vector.broadcast %broadcast_in_dim3A_91 : vector<128x1xi32> to vector<128x2048xi32>
    %eq3A_93 = arith.cmpi eq, %add3A_36, %eq3A_92 : vector<128x2048xi32>
    %jit3A_94 = arith.constant -3.000000e+38 : f32
    %broadcast_in_dim3A_95 = vector.broadcast %jit3A_94 : f32 to vector<128x2048xf32>
    %select_n3A_96 = arith.select %eq3A_93, %broadcast_in_dim3A_95, %select_n3A_80 : vector<128x2048xi1>, vector<128x2048xf32>
    %reduce_max3A_97 = arith.constant dense<0xFF800000> : vector<128xf32>
    %reduce_max3A_98 = vector.multi_reduction <maximumf>, %select_n3A_96, %reduce_max3A_97 [1] : vector<128x2048xf32> to vector<128xf32>
    %broadcast_in_dim3A_99 = vector.shape_cast %reduce_max3A_98 : vector<128xf32> to vector<128x1xf32>
    %ge3A_100 = vector.broadcast %broadcast_in_dim3A_99 : vector<128x1xf32> to vector<128x2048xf32>
    %ge3A_101 = arith.cmpf oge, %select_n3A_96, %ge3A_100 : vector<128x2048xf32>
    %jit3A_102 = arith.constant 2147483647 : i32
    %broadcast_in_dim3A_103 = vector.broadcast %jit3A_102 : i32 to vector<128x2048xi32>
    %select_n3A_104 = arith.select %ge3A_101, %add3A_36, %broadcast_in_dim3A_103 : vector<128x2048xi1>, vector<128x2048xi32>
    %reduce_min3A_105 = arith.constant dense<2147483647> : vector<128xi32>
    %reduce_min3A_106 = vector.multi_reduction <minsi>, %select_n3A_104, %reduce_min3A_105 [1] : vector<128x2048xi32> to vector<128xi32>
    %broadcast_in_dim3A_107 = vector.shape_cast %reduce_min3A_106 : vector<128xi32> to vector<128x1xi32>
    %eq3A_108 = vector.broadcast %broadcast_in_dim3A_107 : vector<128x1xi32> to vector<128x2048xi32>
    %eq3A_109 = arith.cmpi eq, %add3A_36, %eq3A_108 : vector<128x2048xi32>
    %jit3A_110 = arith.constant -3.000000e+38 : f32
    %broadcast_in_dim3A_111 = vector.broadcast %jit3A_110 : f32 to vector<128x2048xf32>
    %select_n3A_112 = arith.select %eq3A_109, %broadcast_in_dim3A_111, %select_n3A_96 : vector<128x2048xi1>, vector<128x2048xf32>
    %reduce_max3A_113 = arith.constant dense<0xFF800000> : vector<128xf32>
    %reduce_max3A_114 = vector.multi_reduction <maximumf>, %select_n3A_112, %reduce_max3A_113 [1] : vector<128x2048xf32> to vector<128xf32>
    %broadcast_in_dim3A_115 = vector.shape_cast %reduce_max3A_114 : vector<128xf32> to vector<128x1xf32>
    %ge3A_116 = vector.broadcast %broadcast_in_dim3A_115 : vector<128x1xf32> to vector<128x2048xf32>
    %ge3A_117 = arith.cmpf oge, %select_n3A_112, %ge3A_116 : vector<128x2048xf32>
    %jit3A_118 = arith.constant 2147483647 : i32
    %broadcast_in_dim3A_119 = vector.broadcast %jit3A_118 : i32 to vector<128x2048xi32>
    %select_n3A_120 = arith.select %ge3A_117, %add3A_36, %broadcast_in_dim3A_119 : vector<128x2048xi1>, vector<128x2048xi32>
    %reduce_min3A_121 = arith.constant dense<2147483647> : vector<128xi32>
    %reduce_min3A_122 = vector.multi_reduction <minsi>, %select_n3A_120, %reduce_min3A_121 [1] : vector<128x2048xi32> to vector<128xi32>
    %broadcast_in_dim3A_123 = vector.shape_cast %reduce_min3A_122 : vector<128xi32> to vector<128x1xi32>
    %eq3A_124 = vector.broadcast %broadcast_in_dim3A_123 : vector<128x1xi32> to vector<128x2048xi32>
    %eq3A_125 = arith.cmpi eq, %add3A_36, %eq3A_124 : vector<128x2048xi32>
    %jit3A_126 = arith.constant -3.000000e+38 : f32
    %broadcast_in_dim3A_127 = vector.broadcast %jit3A_126 : f32 to vector<128x2048xf32>
    %select_n3A_128 = arith.select %eq3A_125, %broadcast_in_dim3A_127, %select_n3A_112 : vector<128x2048xi1>, vector<128x2048xf32>
    %reduce_max3A_129 = arith.constant dense<0xFF800000> : vector<128xf32>
    %reduce_max3A_130 = vector.multi_reduction <maximumf>, %select_n3A_128, %reduce_max3A_129 [1] : vector<128x2048xf32> to vector<128xf32>
    %broadcast_in_dim3A_131 = vector.shape_cast %reduce_max3A_130 : vector<128xf32> to vector<128x1xf32>
    %ge3A_132 = vector.broadcast %broadcast_in_dim3A_131 : vector<128x1xf32> to vector<128x2048xf32>
    %ge3A_133 = arith.cmpf oge, %select_n3A_128, %ge3A_132 : vector<128x2048xf32>
    %jit3A_134 = arith.constant 2147483647 : i32
    %broadcast_in_dim3A_135 = vector.broadcast %jit3A_134 : i32 to vector<128x2048xi32>
    %select_n3A_136 = arith.select %ge3A_133, %add3A_36, %broadcast_in_dim3A_135 : vector<128x2048xi1>, vector<128x2048xi32>
    %reduce_min3A_137 = arith.constant dense<2147483647> : vector<128xi32>
    %reduce_min3A_138 = vector.multi_reduction <minsi>, %select_n3A_136, %reduce_min3A_137 [1] : vector<128x2048xi32> to vector<128xi32>
    %broadcast_in_dim3A_139 = vector.shape_cast %reduce_min3A_138 : vector<128xi32> to vector<128x1xi32>
    %eq3A_140 = vector.broadcast %broadcast_in_dim3A_139 : vector<128x1xi32> to vector<128x2048xi32>
    %eq3A_141 = arith.cmpi eq, %add3A_36, %eq3A_140 : vector<128x2048xi32>
    %jit3A_142 = arith.constant -3.000000e+38 : f32
    %broadcast_in_dim3A_143 = vector.broadcast %jit3A_142 : f32 to vector<128x2048xf32>
    %select_n3A_144 = arith.select %eq3A_141, %broadcast_in_dim3A_143, %select_n3A_128 : vector<128x2048xi1>, vector<128x2048xf32>
    %reduce_max3A_145 = arith.constant dense<0xFF800000> : vector<128xf32>
    %reduce_max3A_146 = vector.multi_reduction <maximumf>, %select_n3A_144, %reduce_max3A_145 [1] : vector<128x2048xf32> to vector<128xf32>
    %broadcast_in_dim3A_147 = vector.shape_cast %reduce_max3A_146 : vector<128xf32> to vector<128x1xf32>
    %ge3A_148 = vector.broadcast %broadcast_in_dim3A_147 : vector<128x1xf32> to vector<128x2048xf32>
    %ge3A_149 = arith.cmpf oge, %select_n3A_144, %ge3A_148 : vector<128x2048xf32>
    %jit3A_150 = arith.constant 2147483647 : i32
    %broadcast_in_dim3A_151 = vector.broadcast %jit3A_150 : i32 to vector<128x2048xi32>
    %select_n3A_152 = arith.select %ge3A_149, %add3A_36, %broadcast_in_dim3A_151 : vector<128x2048xi1>, vector<128x2048xi32>
    %reduce_min3A_153 = arith.constant dense<2147483647> : vector<128xi32>
    %reduce_min3A_154 = vector.multi_reduction <minsi>, %select_n3A_152, %reduce_min3A_153 [1] : vector<128x2048xi32> to vector<128xi32>
    %broadcast_in_dim3A_155 = vector.shape_cast %reduce_min3A_154 : vector<128xi32> to vector<128x1xi32>
    %concatenate3A = tpu.concatenate %broadcast_in_dim3A_39, %broadcast_in_dim3A_51, %broadcast_in_dim3A_67, %broadcast_in_dim3A_83, %broadcast_in_dim3A_99, %broadcast_in_dim3A_115, %broadcast_in_dim3A_131, %broadcast_in_dim3A_147 in 1 : vector<128x1xf32>, vector<128x1xf32>, vector<128x1xf32>, vector<128x1xf32>, vector<128x1xf32>, vector<128x1xf32>, vector<128x1xf32>, vector<128x1xf32> -> vector<128x8xf32>
    %concatenate3A_156 = tpu.concatenate %broadcast_in_dim3A_43, %broadcast_in_dim3A_59, %broadcast_in_dim3A_75, %broadcast_in_dim3A_91, %broadcast_in_dim3A_107, %broadcast_in_dim3A_123, %broadcast_in_dim3A_139, %broadcast_in_dim3A_155 in 1 : vector<128x1xi32>, vector<128x1xi32>, vector<128x1xi32>, vector<128x1xi32>, vector<128x1xi32>, vector<128x1xi32>, vector<128x1xi32>, vector<128x1xi32> -> vector<128x8xi32>
    %get3A_157 = arith.constant 0 : index
    %get3A_158 = arith.constant 0 : index
    %get3A_159 = vector.load %arg11[%get3A_157, %get3A_158] : memref<128x8xf32, #tpu.memory_space<vmem>>, vector<128x8xf32>
    %concatenate3A_160 = tpu.concatenate %concatenate3A, %get3A_159 in 1 : vector<128x8xf32>, vector<128x8xf32> -> vector<128x16xf32>
    %get3A_161 = arith.constant 0 : index
    %get3A_162 = arith.constant 0 : index
    %get3A_163 = vector.load %arg12[%get3A_161, %get3A_162] : memref<128x8xi32, #tpu.memory_space<vmem>>, vector<128x8xi32>
    %concatenate3A_164 = tpu.concatenate %concatenate3A_156, %get3A_163 in 1 : vector<128x8xi32>, vector<128x8xi32> -> vector<128x16xi32>
    %reduce_max3A_165 = arith.constant dense<0xFF800000> : vector<128xf32>
    %reduce_max3A_166 = vector.multi_reduction <maximumf>, %concatenate3A_160, %reduce_max3A_165 [1] : vector<128x16xf32> to vector<128xf32>
    %broadcast_in_dim3A_167 = vector.shape_cast %reduce_max3A_166 : vector<128xf32> to vector<128x1xf32>
    %ge3A_168 = vector.broadcast %broadcast_in_dim3A_167 : vector<128x1xf32> to vector<128x16xf32>
    %ge3A_169 = arith.cmpf oge, %concatenate3A_160, %ge3A_168 : vector<128x16xf32>
    %jit3A_170 = arith.constant 2147483647 : i32
    %broadcast_in_dim3A_171 = vector.broadcast %jit3A_170 : i32 to vector<128x16xi32>
    %select_n3A_172 = arith.select %ge3A_169, %concatenate3A_164, %broadcast_in_dim3A_171 : vector<128x16xi1>, vector<128x16xi32>
    %reduce_min3A_173 = arith.constant dense<2147483647> : vector<128xi32>
    %reduce_min3A_174 = vector.multi_reduction <minsi>, %select_n3A_172, %reduce_min3A_173 [1] : vector<128x16xi32> to vector<128xi32>
    %broadcast_in_dim3A_175 = vector.shape_cast %reduce_min3A_174 : vector<128xi32> to vector<128x1xi32>
    %eq3A_176 = vector.broadcast %broadcast_in_dim3A_175 : vector<128x1xi32> to vector<128x16xi32>
    %eq3A_177 = arith.cmpi eq, %concatenate3A_164, %eq3A_176 : vector<128x16xi32>
    %jit3A_178 = arith.constant -3.000000e+38 : f32
    %broadcast_in_dim3A_179 = vector.broadcast %jit3A_178 : f32 to vector<128x16xf32>
    %select_n3A_180 = arith.select %eq3A_177, %broadcast_in_dim3A_179, %concatenate3A_160 : vector<128x16xi1>, vector<128x16xf32>
    %reduce_max3A_181 = arith.constant dense<0xFF800000> : vector<128xf32>
    %reduce_max3A_182 = vector.multi_reduction <maximumf>, %select_n3A_180, %reduce_max3A_181 [1] : vector<128x16xf32> to vector<128xf32>
    %broadcast_in_dim3A_183 = vector.shape_cast %reduce_max3A_182 : vector<128xf32> to vector<128x1xf32>
    %ge3A_184 = vector.broadcast %broadcast_in_dim3A_183 : vector<128x1xf32> to vector<128x16xf32>
    %ge3A_185 = arith.cmpf oge, %select_n3A_180, %ge3A_184 : vector<128x16xf32>
    %jit3A_186 = arith.constant 2147483647 : i32
    %broadcast_in_dim3A_187 = vector.broadcast %jit3A_186 : i32 to vector<128x16xi32>
    %select_n3A_188 = arith.select %ge3A_185, %concatenate3A_164, %broadcast_in_dim3A_187 : vector<128x16xi1>, vector<128x16xi32>
    %reduce_min3A_189 = arith.constant dense<2147483647> : vector<128xi32>
    %reduce_min3A_190 = vector.multi_reduction <minsi>, %select_n3A_188, %reduce_min3A_189 [1] : vector<128x16xi32> to vector<128xi32>
    %broadcast_in_dim3A_191 = vector.shape_cast %reduce_min3A_190 : vector<128xi32> to vector<128x1xi32>
    %eq3A_192 = vector.broadcast %broadcast_in_dim3A_191 : vector<128x1xi32> to vector<128x16xi32>
    %eq3A_193 = arith.cmpi eq, %concatenate3A_164, %eq3A_192 : vector<128x16xi32>
    %jit3A_194 = arith.constant -3.000000e+38 : f32
    %broadcast_in_dim3A_195 = vector.broadcast %jit3A_194 : f32 to vector<128x16xf32>
    %select_n3A_196 = arith.select %eq3A_193, %broadcast_in_dim3A_195, %select_n3A_180 : vector<128x16xi1>, vector<128x16xf32>
    %reduce_max3A_197 = arith.constant dense<0xFF800000> : vector<128xf32>
    %reduce_max3A_198 = vector.multi_reduction <maximumf>, %select_n3A_196, %reduce_max3A_197 [1] : vector<128x16xf32> to vector<128xf32>
    %broadcast_in_dim3A_199 = vector.shape_cast %reduce_max3A_198 : vector<128xf32> to vector<128x1xf32>
    %ge3A_200 = vector.broadcast %broadcast_in_dim3A_199 : vector<128x1xf32> to vector<128x16xf32>
    %ge3A_201 = arith.cmpf oge, %select_n3A_196, %ge3A_200 : vector<128x16xf32>
    %jit3A_202 = arith.constant 2147483647 : i32
    %broadcast_in_dim3A_203 = vector.broadcast %jit3A_202 : i32 to vector<128x16xi32>
    %select_n3A_204 = arith.select %ge3A_201, %concatenate3A_164, %broadcast_in_dim3A_203 : vector<128x16xi1>, vector<128x16xi32>
    %reduce_min3A_205 = arith.constant dense<2147483647> : vector<128xi32>
    %reduce_min3A_206 = vector.multi_reduction <minsi>, %select_n3A_204, %reduce_min3A_205 [1] : vector<128x16xi32> to vector<128xi32>
    %broadcast_in_dim3A_207 = vector.shape_cast %reduce_min3A_206 : vector<128xi32> to vector<128x1xi32>
    %eq3A_208 = vector.broadcast %broadcast_in_dim3A_207 : vector<128x1xi32> to vector<128x16xi32>
    %eq3A_209 = arith.cmpi eq, %concatenate3A_164, %eq3A_208 : vector<128x16xi32>
    %jit3A_210 = arith.constant -3.000000e+38 : f32
    %broadcast_in_dim3A_211 = vector.broadcast %jit3A_210 : f32 to vector<128x16xf32>
    %select_n3A_212 = arith.select %eq3A_209, %broadcast_in_dim3A_211, %select_n3A_196 : vector<128x16xi1>, vector<128x16xf32>
    %reduce_max3A_213 = arith.constant dense<0xFF800000> : vector<128xf32>
    %reduce_max3A_214 = vector.multi_reduction <maximumf>, %select_n3A_212, %reduce_max3A_213 [1] : vector<128x16xf32> to vector<128xf32>
    %broadcast_in_dim3A_215 = vector.shape_cast %reduce_max3A_214 : vector<128xf32> to vector<128x1xf32>
    %ge3A_216 = vector.broadcast %broadcast_in_dim3A_215 : vector<128x1xf32> to vector<128x16xf32>
    %ge3A_217 = arith.cmpf oge, %select_n3A_212, %ge3A_216 : vector<128x16xf32>
    %jit3A_218 = arith.constant 2147483647 : i32
    %broadcast_in_dim3A_219 = vector.broadcast %jit3A_218 : i32 to vector<128x16xi32>
    %select_n3A_220 = arith.select %ge3A_217, %concatenate3A_164, %broadcast_in_dim3A_219 : vector<128x16xi1>, vector<128x16xi32>
    %reduce_min3A_221 = arith.constant dense<2147483647> : vector<128xi32>
    %reduce_min3A_222 = vector.multi_reduction <minsi>, %select_n3A_220, %reduce_min3A_221 [1] : vector<128x16xi32> to vector<128xi32>
    %broadcast_in_dim3A_223 = vector.shape_cast %reduce_min3A_222 : vector<128xi32> to vector<128x1xi32>
    %eq3A_224 = vector.broadcast %broadcast_in_dim3A_223 : vector<128x1xi32> to vector<128x16xi32>
    %eq3A_225 = arith.cmpi eq, %concatenate3A_164, %eq3A_224 : vector<128x16xi32>
    %jit3A_226 = arith.constant -3.000000e+38 : f32
    %broadcast_in_dim3A_227 = vector.broadcast %jit3A_226 : f32 to vector<128x16xf32>
    %select_n3A_228 = arith.select %eq3A_225, %broadcast_in_dim3A_227, %select_n3A_212 : vector<128x16xi1>, vector<128x16xf32>
    %reduce_max3A_229 = arith.constant dense<0xFF800000> : vector<128xf32>
    %reduce_max3A_230 = vector.multi_reduction <maximumf>, %select_n3A_228, %reduce_max3A_229 [1] : vector<128x16xf32> to vector<128xf32>
    %broadcast_in_dim3A_231 = vector.shape_cast %reduce_max3A_230 : vector<128xf32> to vector<128x1xf32>
    %ge3A_232 = vector.broadcast %broadcast_in_dim3A_231 : vector<128x1xf32> to vector<128x16xf32>
    %ge3A_233 = arith.cmpf oge, %select_n3A_228, %ge3A_232 : vector<128x16xf32>
    %jit3A_234 = arith.constant 2147483647 : i32
    %broadcast_in_dim3A_235 = vector.broadcast %jit3A_234 : i32 to vector<128x16xi32>
    %select_n3A_236 = arith.select %ge3A_233, %concatenate3A_164, %broadcast_in_dim3A_235 : vector<128x16xi1>, vector<128x16xi32>
    %reduce_min3A_237 = arith.constant dense<2147483647> : vector<128xi32>
    %reduce_min3A_238 = vector.multi_reduction <minsi>, %select_n3A_236, %reduce_min3A_237 [1] : vector<128x16xi32> to vector<128xi32>
    %broadcast_in_dim3A_239 = vector.shape_cast %reduce_min3A_238 : vector<128xi32> to vector<128x1xi32>
    %eq3A_240 = vector.broadcast %broadcast_in_dim3A_239 : vector<128x1xi32> to vector<128x16xi32>
    %eq3A_241 = arith.cmpi eq, %concatenate3A_164, %eq3A_240 : vector<128x16xi32>
    %jit3A_242 = arith.constant -3.000000e+38 : f32
    %broadcast_in_dim3A_243 = vector.broadcast %jit3A_242 : f32 to vector<128x16xf32>
    %select_n3A_244 = arith.select %eq3A_241, %broadcast_in_dim3A_243, %select_n3A_228 : vector<128x16xi1>, vector<128x16xf32>
    %reduce_max3A_245 = arith.constant dense<0xFF800000> : vector<128xf32>
    %reduce_max3A_246 = vector.multi_reduction <maximumf>, %select_n3A_244, %reduce_max3A_245 [1] : vector<128x16xf32> to vector<128xf32>
    %broadcast_in_dim3A_247 = vector.shape_cast %reduce_max3A_246 : vector<128xf32> to vector<128x1xf32>
    %ge3A_248 = vector.broadcast %broadcast_in_dim3A_247 : vector<128x1xf32> to vector<128x16xf32>
    %ge3A_249 = arith.cmpf oge, %select_n3A_244, %ge3A_248 : vector<128x16xf32>
    %jit3A_250 = arith.constant 2147483647 : i32
    %broadcast_in_dim3A_251 = vector.broadcast %jit3A_250 : i32 to vector<128x16xi32>
    %select_n3A_252 = arith.select %ge3A_249, %concatenate3A_164, %broadcast_in_dim3A_251 : vector<128x16xi1>, vector<128x16xi32>
    %reduce_min3A_253 = arith.constant dense<2147483647> : vector<128xi32>
    %reduce_min3A_254 = vector.multi_reduction <minsi>, %select_n3A_252, %reduce_min3A_253 [1] : vector<128x16xi32> to vector<128xi32>
    %broadcast_in_dim3A_255 = vector.shape_cast %reduce_min3A_254 : vector<128xi32> to vector<128x1xi32>
    %eq3A_256 = vector.broadcast %broadcast_in_dim3A_255 : vector<128x1xi32> to vector<128x16xi32>
    %eq3A_257 = arith.cmpi eq, %concatenate3A_164, %eq3A_256 : vector<128x16xi32>
    %jit3A_258 = arith.constant -3.000000e+38 : f32
    %broadcast_in_dim3A_259 = vector.broadcast %jit3A_258 : f32 to vector<128x16xf32>
    %select_n3A_260 = arith.select %eq3A_257, %broadcast_in_dim3A_259, %select_n3A_244 : vector<128x16xi1>, vector<128x16xf32>
    %reduce_max3A_261 = arith.constant dense<0xFF800000> : vector<128xf32>
    %reduce_max3A_262 = vector.multi_reduction <maximumf>, %select_n3A_260, %reduce_max3A_261 [1] : vector<128x16xf32> to vector<128xf32>
    %broadcast_in_dim3A_263 = vector.shape_cast %reduce_max3A_262 : vector<128xf32> to vector<128x1xf32>
    %ge3A_264 = vector.broadcast %broadcast_in_dim3A_263 : vector<128x1xf32> to vector<128x16xf32>
    %ge3A_265 = arith.cmpf oge, %select_n3A_260, %ge3A_264 : vector<128x16xf32>
    %jit3A_266 = arith.constant 2147483647 : i32
    %broadcast_in_dim3A_267 = vector.broadcast %jit3A_266 : i32 to vector<128x16xi32>
    %select_n3A_268 = arith.select %ge3A_265, %concatenate3A_164, %broadcast_in_dim3A_267 : vector<128x16xi1>, vector<128x16xi32>
    %reduce_min3A_269 = arith.constant dense<2147483647> : vector<128xi32>
    %reduce_min3A_270 = vector.multi_reduction <minsi>, %select_n3A_268, %reduce_min3A_269 [1] : vector<128x16xi32> to vector<128xi32>
    %broadcast_in_dim3A_271 = vector.shape_cast %reduce_min3A_270 : vector<128xi32> to vector<128x1xi32>
    %eq3A_272 = vector.broadcast %broadcast_in_dim3A_271 : vector<128x1xi32> to vector<128x16xi32>
    %eq3A_273 = arith.cmpi eq, %concatenate3A_164, %eq3A_272 : vector<128x16xi32>
    %jit3A_274 = arith.constant -3.000000e+38 : f32
    %broadcast_in_dim3A_275 = vector.broadcast %jit3A_274 : f32 to vector<128x16xf32>
    %select_n3A_276 = arith.select %eq3A_273, %broadcast_in_dim3A_275, %select_n3A_260 : vector<128x16xi1>, vector<128x16xf32>
    %reduce_max3A_277 = arith.constant dense<0xFF800000> : vector<128xf32>
    %reduce_max3A_278 = vector.multi_reduction <maximumf>, %select_n3A_276, %reduce_max3A_277 [1] : vector<128x16xf32> to vector<128xf32>
    %broadcast_in_dim3A_279 = vector.shape_cast %reduce_max3A_278 : vector<128xf32> to vector<128x1xf32>
    %ge3A_280 = vector.broadcast %broadcast_in_dim3A_279 : vector<128x1xf32> to vector<128x16xf32>
    %ge3A_281 = arith.cmpf oge, %select_n3A_276, %ge3A_280 : vector<128x16xf32>
    %jit3A_282 = arith.constant 2147483647 : i32
    %broadcast_in_dim3A_283 = vector.broadcast %jit3A_282 : i32 to vector<128x16xi32>
    %select_n3A_284 = arith.select %ge3A_281, %concatenate3A_164, %broadcast_in_dim3A_283 : vector<128x16xi1>, vector<128x16xi32>
    %reduce_min3A_285 = arith.constant dense<2147483647> : vector<128xi32>
    %reduce_min3A_286 = vector.multi_reduction <minsi>, %select_n3A_284, %reduce_min3A_285 [1] : vector<128x16xi32> to vector<128xi32>
    %broadcast_in_dim3A_287 = vector.shape_cast %reduce_min3A_286 : vector<128xi32> to vector<128x1xi32>
    %concatenate3A_288 = tpu.concatenate %broadcast_in_dim3A_167, %broadcast_in_dim3A_183, %broadcast_in_dim3A_199, %broadcast_in_dim3A_215, %broadcast_in_dim3A_231, %broadcast_in_dim3A_247, %broadcast_in_dim3A_263, %broadcast_in_dim3A_279 in 1 : vector<128x1xf32>, vector<128x1xf32>, vector<128x1xf32>, vector<128x1xf32>, vector<128x1xf32>, vector<128x1xf32>, vector<128x1xf32>, vector<128x1xf32> -> vector<128x8xf32>
    %concatenate3A_289 = tpu.concatenate %broadcast_in_dim3A_175, %broadcast_in_dim3A_191, %broadcast_in_dim3A_207, %broadcast_in_dim3A_223, %broadcast_in_dim3A_239, %broadcast_in_dim3A_255, %broadcast_in_dim3A_271, %broadcast_in_dim3A_287 in 1 : vector<128x1xi32>, vector<128x1xi32>, vector<128x1xi32>, vector<128x1xi32>, vector<128x1xi32>, vector<128x1xi32>, vector<128x1xi32>, vector<128x1xi32> -> vector<128x8xi32>
    %swap3A_290 = arith.constant 0 : index
    %swap3A_291 = arith.constant 0 : index
    %swap3A_292 = vector.load %arg11[%swap3A_290, %swap3A_291] : memref<128x8xf32, #tpu.memory_space<vmem>>, vector<128x8xf32>
    tpu.vector_store %arg11[%swap3A_290, %swap3A_291], %concatenate3A_288 {strides = array<i32>} : memref<128x8xf32, #tpu.memory_space<vmem>>, vector<128x8xf32>,
    %swap3A_293 = arith.constant 0 : index
    %swap3A_294 = arith.constant 0 : index
    %swap3A_295 = vector.load %arg12[%swap3A_293, %swap3A_294] : memref<128x8xi32, #tpu.memory_space<vmem>>, vector<128x8xi32>
    tpu.vector_store %arg12[%swap3A_293, %swap3A_294], %concatenate3A_289 {strides = array<i32>} : memref<128x8xi32, #tpu.memory_space<vmem>>, vector<128x8xi32>,
    %eq3A_296 = arith.constant 49 : i32
    %eq3A_297 = arith.cmpi eq, %arg0, %eq3A_296 : i32
    %convert_element_type3A_298 = arith.extui %eq3A_297 : i1 to i32
    %cond3A_299 = arith.constant 0 : i32
    %cond3A_300 = arith.cmpi ne, %convert_element_type3A_298, %cond3A_299 : i32
    scf.if %cond3A_300 {
      %get3A_301 = arith.constant 0 : index
      %get3A_302 = arith.constant 0 : index
      %get3A_303 = vector.load %arg14[%get3A_301, %get3A_302] : memref<128x1xf32, #tpu.memory_space<vmem>>, vector<128x1xf32>
      %get3A_304 = arith.constant 0 : index
      %get3A_305 = arith.constant 0 : index
      %get3A_306 = vector.load %arg15[%get3A_304, %get3A_305] : memref<128x1xf32, #tpu.memory_space<vmem>>, vector<128x1xf32>
      %log3A = math.log %get3A_306 : vector<128x1xf32>
      %add3A_307 = arith.addf %get3A_303, %log3A : vector<128x1xf32>
      %broadcast_in_dim3A_308 = vector.shape_cast %add3A_307 : vector<128x1xf32> to vector<128x1xf32>
      %broadcast_in_dim3A_309 = vector.broadcast %broadcast_in_dim3A_308 : vector<128x1xf32> to vector<128x8xf32>
      %swap3A_310 = arith.constant 0 : index
      %swap3A_311 = arith.constant 0 : index
      %swap3A_312 = vector.load %arg13[%swap3A_310, %swap3A_311] : memref<128x8xf32, #tpu.memory_space<vmem>>, vector<128x8xf32>
      tpu.vector_store %arg13[%swap3A_310, %swap3A_311], %broadcast_in_dim3A_309 {strides = array<i32>} : memref<128x8xf32, #tpu.memory_space<vmem>>, vector<128x8xf32>,
    } else {
    }
    return
  }
  func.func @transform_0(%arg0: i32) -> (i32, i32) {
    %c0_i32 = arith.constant 0 : i32
    %c0_i32_0 = arith.constant 0 : i32
    %c0_i32_1 = arith.constant 0 : i32
    return %c0_i32, %c0_i32_0 : i32, i32
  }
  func.func @transform_1(%arg0: i32) -> (i32, i32) {
    %c0_i32 = arith.constant 0 : i32
    %c0_i32_0 = arith.constant 0 : i32
    %c0_i32_1 = arith.constant 0 : i32
    return %c0_i32, %c0_i32_0 : i32, i32
  }
  func.func @transform_2(%arg0: i32) -> (i32, i32) {
    %c0_i32 = arith.constant 0 : i32
    %c0_i32_0 = arith.constant 0 : i32
    %c0_i32_1 = arith.constant 0 : i32
    return %c0_i32, %c0_i32_0 : i32, i32
  }
  func.func @transform_3(%arg0: i32) -> (i32, i32) {
    %c0_i32 = arith.constant 0 : i32
    %c0_i32_0 = arith.constant 0 : i32
    %c0_i32_1 = arith.constant 0 : i32
    return %c0_i32, %c0_i32_0 : i32, i32
  }
  func.func @transform_4(%arg0: i32) -> (i32, i32) {
    %c0_i32 = arith.constant 0 : i32
    %c0_i32_0 = arith.constant 0 : i32
    %c0_i32_1 = arith.constant 0 : i32
    return %c0_i32, %c0_i32_0 : i32, i32
  }
  func.func @transform_5(%arg0: i32) -> (i32, i32) {
    %c0_i32 = arith.constant 0 : i32
    %c0_i32_0 = arith.constant 0 : i32
    %c0_i32_1 = arith.constant 0 : i32
    return %c0_i32, %c0_i32_0 : i32, i32
  }
  func.func @transform_6(%arg0: i32) -> (i32, i32) {
    %c0_i32 = arith.constant 0 : i32
    %c0_i32_0 = arith.constant 0 : i32
    return %c0_i32, %arg0 : i32, i32
  }
  func.func @transform_7(%arg0: i32) -> (i32, i32) {
    %c0_i32 = arith.constant 0 : i32
    %c0_i32_0 = arith.constant 0 : i32
    return %c0_i32, %arg0 : i32, i32
  }
  func.func @transform_8(%arg0: i32) -> (i32, i32) {
    %c0_i32 = arith.constant 0 : i32
    %c0_i32_0 = arith.constant 0 : i32
    return %c0_i32, %arg0 : i32, i32
  }
  func.func @transform_9(%arg0: i32) -> (i32, i32) {
    %c0_i32 = arith.constant 0 : i32
    %c0_i32_0 = arith.constant 0 : i32
    %c0_i32_1 = arith.constant 0 : i32
    return %c0_i32, %c0_i32_0 : i32, i32
  }
  func.func @transform_10(%arg0: i32) -> (i32, i32) {
    %c0_i32 = arith.constant 0 : i32
    %c0_i32_0 = arith.constant 0 : i32
    %c0_i32_1 = arith.constant 0 : i32
    return %c0_i32, %c0_i32_0 : i32, i32
  }
  func.func @transform_11(%arg0: i32) -> (i32, i32) {
    %c0_i32 = arith.constant 0 : i32
    %c0_i32_0 = arith.constant 0 : i32
    %c0_i32_1 = arith.constant 0 : i32
    return %c0_i32, %c0_i32_0 : i32, i32
  }
  func.func @transform_12(%arg0: i32) -> (i32, i32) {
    %c0_i32 = arith.constant 0 : i32
    %c0_i32_0 = arith.constant 0 : i32
    %c0_i32_1 = arith.constant 0 : i32
    return %c0_i32, %c0_i32_0 : i32, i32
  }
}

module attributes {stable_mosaic.version = 14 : i64} {
  func.func @_gather_kernel(%arg0: i32, %arg1: memref<16xi32, #tpu.memory_space<smem>>, %arg2: memref<1x1x1x102400xf32, #tpu.memory_space<vmem>>, %arg3: memref<1x1x128xf32, #tpu.memory_space<vmem>>, %arg4: memref<1x1x1x102400xf32, #tpu.memory_space<vmem>>) attributes {dimension_semantics = [#tpu.dimension_semantics<arbitrary>], iteration_bounds = array<i64: 16>, scalar_prefetch = 1 : i64, scratch_operands = 0 : i64, tpu.core_type = #tpu.core_type<tc>, window_params = [{transform_indices = @transform_0, window_bounds = array<i64: 1, 1, 1, 102400>}, {transform_indices = @transform_1, window_bounds = array<i64: 1, 1, 128>}, {transform_indices = @transform_2, window_bounds = array<i64: 1, 1, 1, 102400>}]} {
    %get3A = arith.constant 0 : index
    %get3A_0 = arith.constant 0 : index
    %get3A_1 = arith.constant 0 : index
    %get3A_2 = arith.constant 0 : index
    %get3A_3 = vector.load %arg2[%get3A, %get3A_0, %get3A_1, %get3A_2] : memref<1x1x1x102400xf32, #tpu.memory_space<vmem>>, vector<1x1x1x102400xf32>
    %get3A_4 = arith.constant 0 : index
    %get3A_5 = arith.constant 0 : index
    %get3A_6 = arith.constant 0 : index
    %get3A_7 = vector.load %arg3[%get3A_4, %get3A_5, %get3A_6] : memref<1x1x128xf32, #tpu.memory_space<vmem>>, vector<1x1x1xf32>
    %get3A_8 = vector.extract %get3A_7[0, 0, 0] : f32 from vector<1x1x1xf32>
    %sub3A = vector.broadcast %get3A_8 : f32 to vector<1x1x1x102400xf32>
    %sub3A_9 = arith.subf %get3A_3, %sub3A : vector<1x1x1x102400xf32>
    %swap3A = arith.constant 0 : index
    %swap3A_10 = arith.constant 0 : index
    %swap3A_11 = arith.constant 0 : index
    %swap3A_12 = arith.constant 0 : index
    %swap3A_13 = vector.load %arg4[%swap3A, %swap3A_10, %swap3A_11, %swap3A_12] : memref<1x1x1x102400xf32, #tpu.memory_space<vmem>>, vector<1x1x1x102400xf32>
    tpu.vector_store %arg4[%swap3A, %swap3A_10, %swap3A_11, %swap3A_12], %sub3A_9 {strides = array<i32>} : memref<1x1x1x102400xf32, #tpu.memory_space<vmem>>, vector<1x1x1x102400xf32>,
    return
  }
  func.func @transform_0(%arg0: i32, %arg1: memref<16xi32, #tpu.memory_space<smem>>) -> (i32, i32, i32, i32) {
    %get3A = arith.index_cast %arg0 : i32 to index
    %get3A_0 = memref.load %arg1[%get3A] : memref<16xi32, #tpu.memory_space<smem>>
    %c0_i32 = arith.constant 0 : i32
    %c0_i32_1 = arith.constant 0 : i32
    %c0_i32_2 = arith.constant 0 : i32
    %c0_i32_3 = arith.constant 0 : i32
    return %get3A_0, %c0_i32, %c0_i32_1, %c0_i32_2 : i32, i32, i32, i32
  }
  func.func @transform_1(%arg0: i32, %arg1: memref<16xi32, #tpu.memory_space<smem>>) -> (i32, i32, i32) {
    %c0_i32 = arith.constant 0 : i32
    %c0_i32_0 = arith.constant 0 : i32
    %c0_i32_1 = arith.constant 0 : i32
    return %arg0, %c0_i32, %c0_i32_0 : i32, i32, i32
  }
  func.func @transform_2(%arg0: i32, %arg1: memref<16xi32, #tpu.memory_space<smem>>) -> (i32, i32, i32, i32) {
    %c0_i32 = arith.constant 0 : i32
    %c0_i32_0 = arith.constant 0 : i32
    %c0_i32_1 = arith.constant 0 : i32
    %c0_i32_2 = arith.constant 0 : i32
    return %arg0, %c0_i32, %c0_i32_0, %c0_i32_1 : i32, i32, i32, i32
  }
}

</mosaic_0001>

<sc_bundles>
// kernel: sparse-core-data-format-call.cloned.1.call-start
scs
called_computation_lowered:
.L_overlay_start_0:
0x0: {  	s2 =	sld [smem:$0x3FD9]  }
0x1: {  	s3 =	sld [smem:$0x3FFE];
	_ =	sdelay $0x1  }
0x2: {  	s1 =	srdreg.scid  }
0x3: {  	s0 =	sand.u32 $0x1, s1  }
0x4: {  	s15 =	sshll.u32 s0, $0xA;
	s2 =	sadd.s32 s3, s2  }
0x5: {  	s2 =	sadd.s32 s2, s15  }
0x6: {  	[smem:$0x3FBE] =	sst s2  }
0x7: {  	_ = 	snop  }
0x8: {  	s2 =	sld [smem:$0x3FD0];
	_ =	sdelay $0x2  }
0x9: {  	s16 =	simm.s32 $0xA;
	s4 =	simm.s32 $0x10  }
0xa: {  	[smem:s4], [sflag:s16] =	dma.local [hbm:s2], $0x1  }
0xb: {  	_ =	swait.eq [sflag:s16], $0x1  }
0xc: {  	[sflag:s16] =	ssyncset.done $0x0  }
0xd: {  	[sflag:s16] =	ssyncadd.s32 $0xFFFFFFFF  }
0xe: {  	s17 =	sld [smem:$0x10];
	(tm) =	ssettm $0x1  }
0xf: {  	s18 =	sld [smem:$0x3FFB];
	_ =	sdelay $0x3  }
0x10: {  	_ =	strace s18  }
0x11: {  	s3 =	sld [smem:$0x3FFC];
	_ =	sdelay $0x3  }
0x12: {  	_ =	strace s3  }
0x13: {  	s3 =	sld [smem:$0x3FFD];
	_ =	sdelay $0x3  }
0x14: {  	_ =	strace s3  }
0x15: {  	_ =	strace $0x8FFFFFFF  }
0x16: {  	s19 =	sld [smem:$0x3FDB];
	_ =	sdelay $0x1  }
0x17: {  	s20 =	simm.s32 $_scs_section_size  }
0x18: {  	s5 =	simm.s32 $_size__tile_overlayer_lowered;
	s6 =	simm.s32 $_tile_overlayer_lowered  }
0x19: {  	s23 =	simm.s32 $0x1BFF;
	s22 =	sshll.u32 s6, $0x1;
	s3 =	sadd.s32 s20, s19  }
0x1a: {  	s7 =	simm.s32 $0x0;
	s21 =	sshll.u32 s5, $0x1;
	s5 =	sadd.s32 s22, s3  }
0x1b: {  	[timem:s7], [sflag:s23] =	dma.local [hbm:s5], s21  }
0x1c: {  	_ =	swait.ge [sflag:s23], s21  }
0x1d: {  	s4 =	ssub.s32 $0x0, s21;
	[sflag:s23] =	ssyncset.done $0x0  }
0x1e: {  	[sflag:s23] =	ssyncadd.s32 s4;
	_ =	sdelay $0x1  }
0x1f: {  	s24 =	simm.s32 $0x1B8B  }
0x20: {  	_ =	swait.ge [sflag:s24], $0x1  }
0x21: {  	[sflag:s24] =	ssyncset.done $0x0  }
0x22: {  	s26 =	simm.s32 $0x1B8E;
	s25 =	sld [smem:$0x3FFE];
	[sflag:s24] =	ssyncadd.s32 $0xFFFFFFFF  }
0x23: {  	s27 =	simm.s32 $execute0_lowered;
	[smem:$0x3FD2] =	sst s26  }
0x24: {  	s5 =	sshll.u32 s27, $0x1;
	_ =	strace $0x80000046;
	[dreg:$0x1] =	wrdreg $0xFFFFFFFF  }
0x25: {  	s28 =	simm.s32 $_size_execute0_lowered;
	s3 =	sadd.s32 s3, s5;
	[dreg:$0x0] =	wrdreg $0x0  }
0x26: {  	s5 =	sshll.u32 s28, $0x1;
	[dreg:$0x2] =	wrdreg s3  }
0x27: {  	[dreg:$0x3] =	wrdreg s5  }
0x28: {  	[dreg:$0x4] =	wrdreg $0xC0  }
0x29: {  	_ =	task [dreg:s7], $0x5FFFF  }
0x2a: {  	[dreg:$0x1] =	wrdreg $0xFFFFFFFF  }
0x2b: {  	[dreg:$0x0] =	wrdreg $0x60  }
0x2c: {  	[dreg:$0x2] =	wrdreg s25  }
0x2d: {  	[dreg:$0x3] =	wrdreg s17  }
0x2e: {  	[dreg:$0x4] =	wrdreg $0x9  }
0x2f: {  	_ =	task.clear_ibuf [dreg:s7], $0x5FFFF;
	_ =	strace $0x90000046  }
0x30: {  	s29 =	simm.s32 $0x9;
	_ =	strace $0x80000048  }
0x31: {  	_ =	swait.ge [sflag:s29], $0x1  }
0x32: {  	[sflag:s29] =	ssyncadd.s32 $0xFFFFFFFF  }
0x33: {  	_ =	strace $0x90000048  }
0x34: {  	_ =	sfence  }
0x35: {  	s30 =	sld [smem:$0x0];
	_ =	sdelay $0x2  }
0x36: {  	s31 =	sshll.u32 s1, $0xD;
	s1 =	sshrl.u32 s1, $0x2  }
0x37: {  	s3 =	sand.u32 $0x4000, s31;
	s1 =	sadd.s32 s1, s30  }
0x38: {  	s0 =	sor.u32 s3, s0;
	s1 =	sshll.u32 s1, $0x11  }
0x39: {  	s0 =	sor.u32 s1, s0  }
0x3a: {  	s0 =	sadd.s32 $0x8F2B, s0  }
0x3b: {  	[sflag:s0] =	ssyncadd.remote.s32 $0x1  }
0x3c: {  	_ =	sfence.sel $0xFFFF  }
0x3d: {  	[dreg:$0x0] =	wrdreg $0xFFFFFFFF;
	(pc) =	sbr.abs _section_cstart, $3  }
0x3e: {  	[dreg:$0x1] =	wrdreg $0xFFFFFFFF  }
0x3f: {  	_ =	task.clear_ibuf [dreg:s7], $0x2FFFF;
	_ =	strace $0x9FFFFFFF  }
0x40: {  	(tm) =	ssettm $0x7FFFFFFF  }
0x41: {  	_ =	shalt  }
tec
execute0_lowered:
.L_overlay_start_1:
0x0: {  	(tag) =	ssettag $0x1  }
0x1: {  	s0 =	stileid.u32;
	s1 =	srdreg.scid  }
0x2: {  	s7 =	rddreg [dreg:$0x0];
	s31 =	simm.s32 $0x2;
	s16 =	simm.s32 $0x0  }
0x3: {  	s9 =	simm.s32 $0x187000;
	s10 =	simm.s32 $0x0;
	s15 =	simm.s32 $0x0  }
0x4: {  	s17 =	simm.s32 $0x0;
	s12 =	simm.s32 $0x0;
	s14 =	simm.s32 $0x0  }
0x5: {  	s2 =	sshll.u32 s0, $0x3;
	s3 =	sshll.u32 s0, $0x7;
	s4 =	sshll.u32 s1, $0xB  }
0x6: {  	s23 =	simm.s32 $0x0;
	s1 =	sand.u32 $0x8, s2;
	s29 =	sor.u32 s3, s4  }
0x7: {  	s4 =	rddreg [dreg:$0x1];
	s3 =	sand.u32 $0xF00, s29;
	s30 =	ssub.s32 $0x10, s1  }
0x8: {  	s5 =	sshrl.u32 s30, $0x3;
	s6 =	ssub.s32 $0x18600, s3;
	s8 =	sshrl.u32 s30, $0x4  }
.Ltmp0:
0x9: {  	s5 =	sand.u32 $0x1, s5;
	s6 =	sshrl.u32 s6, $0xC;
	(pc) =	sbr.rel .LBB1_1-.Ltmp0, $4  }
0xa: {  	s2 =	rddreg [dreg:$0x2];
	s8 =	sadd.s32 s8, s5;
	s6 =	sadd.s32 $0x1, s6  }
0xb: {  	_ =	strace $0x80000047;
	s5 =	simm.s32 $0x1;
	s6 =	smul.u32 s8, s6  }
0xc: {  	s7 =	sadd.s32 $0x1F4600, s7;
	s13 =	smov.u32 s1;
	[sflag:s5] =	ssyncpa.u1 $0x0  }
0xd: {  	s11 =	smov.u32 s3;
	[sflag:s31] =	ssyncpa.u1 $0x0;
	s8 =	sadd.s32 $0x1, s6  }
.LBB1_7:
0xe: {  	s18 =	sadd.s32 $0x1000, s11  }
0xf: {  	s15 =	sadd.s32 $0x8, s12;
	s19 =	smov.u32 s12;
	p1 =	sgt.s32 s18, $0x1869F  }
0x10: {  	s19 =	smov.u32 @p1 s15  }
0x11: {  	s21 =	smov.u32 s13;
	s15 =	sadd.s32 $0x10, s13;
	p2 =	sgt.s32 s19, $0x7  }
0x12: {  	s21 =	smov.u32 @p2 s15  }
0x13: {  	s18 =	smov.u32 @p1 s3;
	p1 =	sgt.s32 s21, $0xF  }
0x14: {  	p0 =	slt.u32 s14, $0x2;
	s21 =	smov.u32 @p1 s1;
	p1 =	sne.s32 s14, s8  }
.Ltmp1:
0x15: {  	s20 =	simm.s32 @!p0 $0x2;
	(pc) =	sbr.rel @!p1 .LBB1_8-.Ltmp1, $4  }
0x16: {  	s16 =	smov.u32 s11;
	s17 =	smov.u32 s13;
	_ =	swait.ge @!p0 [sflag:s20], $0x4000  }
0x17: {  	s10 =	sadd.s32 $0x4000, s10;
	[sflag:s20] =	ssyncset.done @!p0 $0x0;
	s11 =	smov.u32 s18  }
0x18: {  	s19 =	simm.s32 @p2 $0x0;
	s15 =	smov.u32 s12;
	[sflag:s20] =	ssyncadd.s32 @!p0 $0xFFFFC000  }
0x19: {  	s12 =	smov.u32 s19;
	s14 =	sadd.s32 $0x1, s14;
	s13 =	smov.u32 s21  }
.LBB1_1:
0x1a: {  	p0 =	sge.u32 s14, s6  }
0x1b: {  	s18 =	sshrl.u32 @!p0 s12, $0x3  }
0x1c: {  	s19 =	sshll.u32 @!p0 s11, $0x3;
	s18 =	smul.u32 @!p0 $0xC3800, s18  }
0x1d: {  	s20 =	sshll.u32 @!p0 s12, $0x7;
	s19 =	sand.u32 @!p0 $0xFFFFFC00, s19  }
0x1e: {  	s18 =	sadd.s32 @!p0 s18, s19;
	s19 =	sand.u32 @!p0 $0x380, s20  }
0x1f: {  	s20 =	sand.u32 @!p0 $0x7F, s11;
	s18 =	sor.u32 @!p0 s19, s18  }
0x20: {  	s19 =	sor.u32 @!p0 s20, s18  }
0x21: {  	s20 =	smulhi.u32 @!p0 $0xA79C7B17, s19  }
0x22: {  	s18 =	smulhi.u32 @!p0 $0xA79C7B17, s18  }
0x23: {  	s20 =	sshrl.u32 @!p0 s20, $0x10  }
0x24: {  	s31 =	sadd.s32 $0xFFFFFFFF, s14;
	s18 =	sshrl.u32 @!p0 s18, $0x10;
	s20 =	smul.u32 @!p0 $0x18700, s20  }
0x25: {  	s21 =	sxor.u32 @!p0 $0xFFFFFFFF, s14;
	s22 =	smul.u32 @!p0 $0x18700, s13;
	s18 =	sand.u32 @!p0 $0x7, s18  }
0x26: {  	s21 =	sshll.u32 @!p0 s21, $0xE;
	s18 =	smul.u32 @!p0 $0x30E0, s18;
	s19 =	ssub.s32 @!p0 s19, s20  }
0x27: {  	s20 =	sand.u32 @!p0 $0x4000, s21;
	s21 =	sadd.s32 @!p0 s7, s22;
	s22 =	sand.u32 @!p0 $0x7, s19  }
0x28: {  	s19 =	sshrl.u32 @!p0 s19, $0x3;
	s18 =	sadd.s32 @!p0 s18, s21;
	s21 =	sshll.u32 @!p0 s22, $0x12  }
0x29: {  	s18 =	sadd.s32 @!p0 s19, s18;
	s19 =	sor.u32 @!p0 $0x800, s21;
	s21 =	simm.s32 @!p0 $0xC3800  }
0x2a: {  	[tilespmem:s20], [sflag:$0x1] =	stream.strided.gather @!p0 [hbm4b:s18+s19], $0x4000, s21, s19, $0x38;
	[tilespmem:$0x10000] =	vst v63  }
0x2b: {  	p0 =	sge.u32 s31, s6  }
.Ltmp2:
0x2c: {  	_ = 	snop;
	(pc) =	sbr.rel @p0 .LBB1_7-.Ltmp2, $1  }
0x2d: {  	_ =	sdelay $0x3  }
0x2e: {  	s18 =	sshll.u32 s10, $0x2;
	_ =	swait.ge [sflag:s5], $0x4000;
	s31 =	sshll.u32 s14, $0xE  }
0x2f: {  	p0 =	por $0x0, $0x0;
	s24 =	simm.s32 $0x0;
	s25 =	simm.s32 $0x0  }
0x30: {  	s18 =	sand.u32 $0x10000, s18;
	[sflag:s5] =	ssyncset.done $0x0;
	s21 =	sand.u32 $0x4000, s31  }
0x31: {  	s22 =	sshrl.u32 s18, $0x2;
	[sflag:s5] =	ssyncadd.s32 $0xFFFFC000;
	s18 =	sor.u32 $0x8000, s21  }
0x32: {  	s19 =	sor.u32 $0x40, s22;
	s20 =	sor.u32 $0x8410, s22;
	s22 =	sadd.s32 $0x8400, s22  }
.LBB1_3:
0x33: {  	v1 =	vld [tilespmem:s19+$0xFFFFFFD0]  }
0x34: {  	v2 =	vld [tilespmem:s19+$0x430]  }
0x35: {  	s26 =	sshll.u32 s25, $0xB;
	v4 =	vld [tilespmem:s19+$0xFFFFFFE0]  }
0x36: {  	v7 =	vld [tilespmem:s19+$0xFFFFFFF0];
	v0 =	vmov s26  }
0x37: {  	v8 =	vld [tilespmem:s19+$0x0]  }
0x38: {  	v9 =	vld [tilespmem:s19+$0x10];
	s26 =	sand.u32 $0x300, s23  }
0x39: {  	s27 =	sand.u32 $0x80, s23;
	v10 =	vld [tilespmem:s19+$0x20];
	s26 =	sadd.s32 s26, s21  }
0x3a: {  	v11 =	vld [tilespmem:s19+$0x30];
	s26 =	sadd.s32 s27, s26;
	s27 =	simm.s32 $0x1;
	[tilespmem:s20+$0x60] =	vst v2  }
0x3b: {  	s27 =	simm.s32 @!p0 $0x0;
	[tilespmem:s20+$0xFFFFFC00] =	vst v1;
	v3 =	vld.idx.msk [tilespmem:v0+s26+$0x400 ss:$0x1], $0xffff;
	s26 =	sshll.u32 s24, $0x2  }
0x3c: {  	v6 =	vld [tilespmem:s19+$0x3D0];
	s27 =	sshll.u32 s27, $0x9;
	[tilespmem:s20+$0xFFFFFC10] =	vst v4;
	s26 =	sand.u32 $0xFFFFFC00, s26  }
0x3d: {  	v5 =	vld [tilespmem:s19+$0x3E0];
	[tilespmem:s20+$0xFFFFFC20] =	vst v7;
	s26 =	sor.u32 s27, s26  }
0x3e: {  	[tilespmem:s20+$0xFFFFFC30] =	vst v8;
	v4 =	vld [tilespmem:s19+$0x400];
	s26 =	sshrl.u32 s26, $0x2  }
0x3f: {  	[tilespmem:s20+$0xFFFFFC40] =	vst v9;
	v1 =	vld [tilespmem:s19+$0x410];
	s26 =	sadd.s32 s26, s22  }
0x40: {  	[tilespmem:s26+$0x0] =	vst v3;
	v3 =	vld [tilespmem:s19+$0x3F0]  }
0x41: {  	s30 =	simm.s32 $0x80;
	s29 =	simm.s32 $0x100;
	[tilespmem:s20+$0xFFFFFC50] =	vst v10;
	v2 =	vld [tilespmem:s19+$0x420]  }
0x42: {  	s28 =	smov.u32 s20;
	s31 =	sand.u32 $0x300, s30;
	v7 =	vld [tilespmem:s19+$0xFFFFFFC0];
	[tilespmem:s20+$0xFFFFFC60] =	vst v11;
	s27 =	sadd.s32 $0x80, s19  }
.LBB1_4:
0x43: {  	p1 =	sne.s32 s29, $0x380;
	v8 =	vld [tilespmem:s27+$0xFFFFFFD0];
	s30 =	sand.u32 $0x80, s30;
	s31 =	sadd.s32 s31, s21;
	[tilespmem:s28+$0x0] =	vst v6  }
0x44: {  	s31 =	sadd.s32 s30, s31;
	v6 =	vld [tilespmem:s27+$0x430];
	[tilespmem:s28+$0x10] =	vst v5;
	s30 =	smov.u32 s29  }
0x45: {  	v5 =	vld.idx.msk [tilespmem:v0+s31+$0x400 ss:$0x1], $0xffff;
	[tilespmem:s28+$0x20] =	vst v3  }
0x46: {  	v3 =	vld [tilespmem:s27+$0xFFFFFFE0];
	[tilespmem:s28+$0x30] =	vst v4  }
0x47: {  	v4 =	vld [tilespmem:s27+$0xFFFFFFF0];
	[tilespmem:s28+$0xFFFFFBF0] =	vst v7  }
0x48: {  	v7 =	vld [tilespmem:s27+$0x0];
	[tilespmem:s28+$0x40] =	vst v1  }
0x49: {  	v1 =	vld [tilespmem:s27+$0x10];
	[tilespmem:s28+$0x50] =	vst v2;
	s28 =	sadd.s32 $0x800, s28  }
0x4a: {  	s26 =	sadd.s32 $0x800, s26;
	v2 =	vld [tilespmem:s27+$0x20];
	[tilespmem:s28+$0x60] =	vst v6  }
0x4b: {  	v9 =	vld [tilespmem:s27+$0x30];
	[tilespmem:s26+$0x0] =	vst v5  }
0x4c: {  	[tilespmem:s28+$0xFFFFFC00] =	vst v8;
	v6 =	vld [tilespmem:s27+$0x3D0]  }
0x4d: {  	[tilespmem:s28+$0xFFFFFC10] =	vst v3;
	v5 =	vld [tilespmem:s27+$0x3E0]  }
.Ltmp3:
0x4e: {  	[tilespmem:s28+$0xFFFFFC20] =	vst v4;
	v3 =	vld [tilespmem:s27+$0x3F0];
	(pc) =	sbr.rel @p1 .LBB1_4-.Ltmp3, $4  }
0x4f: {  	[tilespmem:s28+$0xFFFFFC30] =	vst v7;
	v4 =	vld [tilespmem:s27+$0x400]  }
0x50: {  	[tilespmem:s28+$0xFFFFFC40] =	vst v1;
	v1 =	vld [tilespmem:s27+$0x410]  }
0x51: {  	[tilespmem:s28+$0xFFFFFC50] =	vst v2;
	v2 =	vld [tilespmem:s27+$0x420]  }
0x52: {  	s29 =	sadd.s32 $0x80, s29;
	s31 =	sand.u32 $0x300, s30;
	v7 =	vld [tilespmem:s27+$0xFFFFFFC0];
	[tilespmem:s28+$0xFFFFFC60] =	vst v9;
	s27 =	sadd.s32 $0x80, s27  }
0x53: {  	[tilespmem:s28+$0x0] =	vst v6  }
0x54: {  	[tilespmem:s28+$0x10] =	vst v5  }
0x55: {  	v49 =	vld [tilespmem:s27+$0x430];
	[tilespmem:s28+$0x20] =	vst v3  }
0x56: {  	v50 =	vld [tilespmem:s27+$0xFFFFFFD0];
	[tilespmem:s28+$0x30] =	vst v4  }
0x57: {  	v51 =	vld [tilespmem:s27+$0xFFFFFFE0];
	[tilespmem:s28+$0x40] =	vst v1  }
0x58: {  	s29 =	sand.u32 $0x80, s30;
	s31 =	sadd.s32 s31, s21;
	v52 =	vld [tilespmem:s27+$0xFFFFFFF0];
	[tilespmem:s28+$0x50] =	vst v2  }
0x59: {  	v53 =	vld [tilespmem:s27+$0x0];
	s29 =	sadd.s32 s29, s31;
	s31 =	sadd.s32 $0x800, s28;
	[tilespmem:s28+$0xFFFFFBF0] =	vst v7  }
0x5a: {  	v54 =	vld [tilespmem:s27+$0x10];
	[tilespmem:s31+$0x60] =	vst v49  }
0x5b: {  	v55 =	vld [tilespmem:s27+$0x20];
	[tilespmem:s31+$0xFFFFFC00] =	vst v50  }
0x5c: {  	v56 =	vld [tilespmem:s27+$0x30];
	[tilespmem:s31+$0xFFFFFC10] =	vst v51  }
0x5d: {  	v57 =	vld [tilespmem:s27+$0x3D0];
	[tilespmem:s31+$0xFFFFFC20] =	vst v52  }
0x5e: {  	v58 =	vld [tilespmem:s27+$0x3E0];
	[tilespmem:s31+$0xFFFFFC30] =	vst v53  }
0x5f: {  	v59 =	vld [tilespmem:s27+$0x3F0];
	[tilespmem:s31+$0xFFFFFC40] =	vst v54  }
0x60: {  	v60 =	vld [tilespmem:s27+$0x400];
	[tilespmem:s31+$0xFFFFFC50] =	vst v55  }
0x61: {  	v61 =	vld [tilespmem:s27+$0xFFFFFFC0];
	[tilespmem:s31+$0xFFFFFC60] =	vst v56  }
0x62: {  	v62 =	vld [tilespmem:s27+$0x410];
	[tilespmem:s31+$0x0] =	vst v57  }
0x63: {  	v63 =	vld [tilespmem:s27+$0x420];
	s25 =	sadd.s32 $0x1, s25;
	[tilespmem:s31+$0x10] =	vst v58  }
0x64: {  	p1 =	sne.s32 s25, $0x8;
	v0 =	vld.idx.msk [tilespmem:v0+s29+$0x400 ss:$0x1], $0xffff;
	[tilespmem:s31+$0x20] =	vst v59  }
.Ltmp4:
0x65: {  	[tilespmem:s31+$0x30] =	vst v60;
	(pc) =	sbr.rel @p1 .LBB1_3-.Ltmp4, $4  }
0x66: {  	[tilespmem:s31+$0xFFFFFBF0] =	vst v61  }
0x67: {  	[tilespmem:s31+$0x40] =	vst v62  }
0x68: {  	s26 =	sadd.s32 $0x800, s26;
	s19 =	sadd.s32 $0x800, s19;
	[tilespmem:s31+$0x50] =	vst v63  }
0x69: {  	s24 =	sadd.s32 $0x80, s24;
	p0 =	por !p0, !p0;
	s20 =	sadd.s32 $0x80, s20;
	[tilespmem:s26+$0x0] =	vst v0  }
0x6a: {  	s19 =	sshrl.u32 s17, $0x3  }
0x6b: {  	s20 =	sshll.u32 s16, $0x3;
	s19 =	smul.u32 $0xC3800, s19  }
0x6c: {  	s27 =	sshll.u32 s17, $0x7;
	s20 =	sand.u32 $0xFFFFFC00, s20  }
0x6d: {  	s17 =	sand.u32 $0x380, s27;
	s19 =	sadd.s32 s19, s20  }
0x6e: {  	s28 =	sand.u32 $0x7F, s16;
	s17 =	sor.u32 s17, s19  }
0x6f: {  	s16 =	sor.u32 s28, s17;
	s17 =	smulhi.u32 $0xA79C7B17, s17  }
0x70: {  	s29 =	smulhi.u32 $0xA79C7B17, s16;
	_ =	sdelay $0x1  }
0x71: {  	s15 =	smul.u32 $0x30E00, s15;
	s17 =	sshrl.u32 s17, $0x10;
	s19 =	sshrl.u32 s29, $0x10  }
0x72: {  	s17 =	sand.u32 $0xF, s17;
	s19 =	smul.u32 $0x18700, s19  }
0x73: {  	s17 =	smul.u32 $0x30E0, s17  }
.Ltmp5:
0x74: {  	s16 =	ssub.s32 s16, s19;
	(pc) =	sbr.rel .LBB1_7-.Ltmp5, $4  }
0x75: {  	s15 =	sadd.s32 s4, s15;
	s19 =	sand.u32 $0x7, s16  }
0x76: {  	s15 =	sadd.s32 s17, s15;
	s16 =	sshrl.u32 s16, $0x3;
	s30 =	sshll.u32 s19, $0x12  }
0x77: {  	s15 =	sadd.s32 s16, s15;
	s31 =	sor.u32 $0x800, s30  }
0x78: {  	[hbm4b:s15+s31] =	stream.strided.scatter [tilespmem:s18], [sflag:$0x2], $0x4000, s9, s31, $0x38;
	[tilespmem:$0x10000] =	vst v63  }
.LBB1_8:
0x79: {  	_ =	sfence.sel $0x180000  }
0x7a: {  	s1 =	simm.s32 $0x1;
	[bflag:$0x0] =	sbarrier.arrive $0xFFFF  }
0x7b: {  	s31 =	simm.s32 $0x2;
	[sflag:s1] =	ssyncpa.u1 $0x1  }
0x7c: {  	[sflag:s31] =	ssyncpa.u1 $0x1  }
0x7d: {  	p0 =	sne.s32 s0, $0x0;
	_ =	strace $0x90000047  }
0x7e: {  	s0 =	sadd.s32 @!p0 $0x100000, s2;
	[bflag:$0x2] =	sbarrier.arrive $0xFFFF  }
0x7f: {  	[sflag:s0] =	ssyncadd.tile.s32 @!p0 $0x1;
	_ =	shalt  }
.Lfunc_end1:
_tile_overlayer_lowered:
.L_overlay_start_2:
0x80: {  	(tag) =	ssettag $0x2  }
0x81: {  	s0 =	rddreg [dreg:$0x0];
	s2 =	stileid.u32  }
0x82: {  	s1 =	rddreg [dreg:$0x1];
	p0 =	sne.s32 s2, $0x0  }
0x83: {  	s3 =	rddreg [dreg:$0x2];
	[bflag:$0x3] =	sbarrier.arrive $0xFFFF;
	s2 =	simm.s32 @!p0 $0x1C01  }
0x84: {  	[timem:s3], [sflag:s2] =	dma.local @!p0 [hbm:s0], s1  }
0x85: {  	s0 =	simm.s32 @!p0 $0x1  }
0x86: {  	_ =	swait.ge @!p0 [sflag:s0], s1  }
0x87: {  	s1 =	ssub.s32 @!p0 $0x0, s1;
	[sflag:s0] =	ssyncset.done @!p0 $0x0  }
0x88: {  	[sflag:s0] =	ssyncadd.s32 @!p0 s1  }
0x89: {  	[bflag:$0x3] =	sbarrier.arrive $0xFFFF  }
0x8a: {  	_ =	shalt  }

</sc_bundles>
